<compile_context>
chip_gen: v7x
topology: tpu7x:2x2x1
jax: 0.10.2.dev20260603
libtpu: 0.0.44.dev20260713+nightly
codegen_flags: <defaults>
</compile_context>

<pallas_src>
import functools

import jax
import jax.numpy as jnp
from jax import lax
from jax.experimental import pallas as pl
from jax.experimental.pallas import tpu as pltpu
from jax.experimental.pallas import tpu_sc as plsc

N_NODES = 10000
N_FEAT = 128
NC = 2
NS = 16
NW = NC * NS
CH = 128
AR = 10240
RPS = AR // NS
PAD_NODE = 10016

_sc_mesh = plsc.VectorSubcoreMesh(
    core_axis_name="c", subcore_axis_name="s", num_cores=NC, num_subcores=NS)



def _deg_body(nchunk16, col_hbm, out_hbm, hist, colv):
    c = lax.axis_index("c")
    s = lax.axis_index("s")
    w = s * NC + c
    zeros = jnp.zeros((16,), jnp.float32)

    def zero_step(i, _):
        hist[pl.ds(i * 16, 16)] = zeros
        return 0

    lax.fori_loop(0, AR // 16, zero_step, 0)
    pltpu.sync_copy(col_hbm.at[w], colv)
    ones = jnp.ones((16,), jnp.float32)

    def step(j, _):
        idx = colv[pl.ds(j * 16, 16)]
        plsc.addupdate_scatter(hist, [idx], ones)
        return 0

    lax.fori_loop(0, nchunk16, step, 0)
    pltpu.sync_copy(hist, out_hbm.at[w])


def _make_deg_kernel(epw):
    return functools.partial(
        pl.kernel,
        out_type=jax.ShapeDtypeStruct((NW, AR), jnp.float32),
        mesh=_sc_mesh,
        scratch_types=[
            pltpu.VMEM((AR,), jnp.float32),
            pltpu.VMEM((epw,), jnp.int32),
        ],
        compiler_params=pltpu.CompilerParams(needs_layout_passes=False),
    )(functools.partial(_deg_body, epw // 16))


def _prop_body(nchunk, u_hbm, row_hbm, col_hbm, out_hbm, acc, rowv, colv,
               gbuf, sem):
    c = lax.axis_index("c")
    s = lax.axis_index("s")
    w = s * NC + c
    pltpu.sync_copy(u_hbm.at[pl.ds(s * RPS, RPS)], acc.at[pl.ds(s * RPS, RPS)])
    pltpu.sync_copy(row_hbm.at[w], rowv)
    pltpu.sync_copy(col_hbm.at[w], colv)
    plsc.subcore_barrier()

    def step(j, _):
        pltpu.async_copy(u_hbm.at[colv.at[j]], gbuf, sem).wait()
        pltpu.sync_copy(gbuf, acc.at[rowv.at[j]], add=True)
        return 0

    lax.fori_loop(0, nchunk, step, 0)
    plsc.subcore_barrier()
    pltpu.sync_copy(acc.at[pl.ds(s * RPS, RPS)],
                    out_hbm.at[c].at[pl.ds(s * RPS, RPS)])


def _make_prop_kernel(nchunk):
    return functools.partial(
        pl.kernel,
        out_type=jax.ShapeDtypeStruct((NC, AR, N_FEAT), jnp.float32),
        mesh=_sc_mesh,
        scratch_types=[
            pltpu.VMEM_SHARED((AR, N_FEAT), jnp.float32),
            pltpu.VMEM((nchunk, CH), jnp.int32),
            pltpu.VMEM((nchunk, CH), jnp.int32),
            pltpu.VMEM((CH, N_FEAT), jnp.float32),
            pltpu.SemaphoreType.DMA,
        ],
    )(functools.partial(_prop_body, nchunk))



_TB = 2048


def _dis_of(hist_blk):
    deg = jnp.sum(hist_blk, axis=0) + 1.0
    return lax.rsqrt(deg)


def _prescale_body(hist_ref, x_ref, u0_ref):
    dis = _dis_of(hist_ref[...])
    u0_ref[...] = x_ref[...] * dis[:, None]


def _combine_mid_body(hist_ref, p_ref, u0_ref, u1_ref):
    dis = _dis_of(hist_ref[...])
    s1 = p_ref[0] + p_ref[1] - u0_ref[...]
    u1_ref[...] = s1 * (dis * dis)[:, None]


def _final_body(hist_ref, q_ref, u1_ref, w_ref, b_ref, out_ref):
    dis = _dis_of(hist_ref[...])
    h2 = (q_ref[0] + q_ref[1] - u1_ref[...]) * dis[:, None]
    out_ref[...] = lax.dot_general(
        h2, w_ref[...], (((1,), (1,)), ((), ())),
        preferred_element_type=jnp.float32) + b_ref[...]


def _hist_spec():
    return pl.BlockSpec((NW, _TB), lambda i: (0, i))


def _rows_spec():
    return pl.BlockSpec((_TB, N_FEAT), lambda i: (i, 0))


def _pair_spec():
    return pl.BlockSpec((NC, _TB, N_FEAT), lambda i: (0, i, 0))



def kernel(x, edge_index, W, b):
    row = edge_index[0]
    col = edge_index[1]
    e = row.shape[0]
    nchunk = -(-e // (NW * CH))
    ep = nchunk * NW * CH
    pad = ep - e
    rowp = jnp.concatenate([row, jnp.full((pad,), PAD_NODE, jnp.int32)])
    colp = jnp.concatenate([col, jnp.full((pad,), PAD_NODE, jnp.int32)])
    row3 = rowp.reshape(NW, nchunk, CH)
    col3 = colp.reshape(NW, nchunk, CH)
    colw = colp.reshape(NW, nchunk * CH)

    x_pad = jnp.zeros((AR, N_FEAT), x.dtype).at[:N_NODES].set(x)

    hists = _make_deg_kernel(nchunk * CH)(colw)

    grid = AR // _TB
    u0 = pl.pallas_call(
        _prescale_body,
        grid=(grid,),
        in_specs=[_hist_spec(), _rows_spec()],
        out_specs=_rows_spec(),
        out_shape=jax.ShapeDtypeStruct((AR, N_FEAT), jnp.float32),
    )(hists, x_pad)

    prop = _make_prop_kernel(nchunk)
    p = prop(u0, row3, col3)

    u1 = pl.pallas_call(
        _combine_mid_body,
        grid=(grid,),
        in_specs=[_hist_spec(), _pair_spec(), _rows_spec()],
        out_specs=_rows_spec(),
        out_shape=jax.ShapeDtypeStruct((AR, N_FEAT), jnp.float32),
    )(hists, p, u0)

    q = prop(u1, row3, col3)

    out = pl.pallas_call(
        _final_body,
        grid=(grid,),
        in_specs=[
            _hist_spec(), _pair_spec(), _rows_spec(),
            pl.BlockSpec((N_FEAT, N_FEAT), lambda i: (0, 0)),
            pl.BlockSpec((1, N_FEAT), lambda i: (0, 0)),
        ],
        out_specs=_rows_spec(),
        out_shape=jax.ShapeDtypeStruct((AR, N_FEAT), jnp.float32),
    )(hists, q, u1, W, b.reshape(1, N_FEAT))

    return out[:N_NODES]

# --- scband reference (transcript-rebuilt; emitter-appended) ---
"""Pipeline reference for scband-simplified-gcn-46866683134376 (READ-ONLY COPY).

The authoritative reference and input builder live on the scoring server;
editing this copy changes nothing except your own understanding.
"""

import jax, jax.numpy as jnp
import numpy as np

N = 10000
E = 320000
D_IN = 128
D_OUT = 128
NUM_LAYERS = 2


def setup_inputs(seed: int = 0) -> dict:
    key = jax.random.key(seed)
    k1, k2, k3, k4 = jax.random.split(key, 4)
    x = jax.random.normal(k1, (N, D_IN), dtype=jnp.float32)
    edge_index = jax.random.randint(k2, (2, E), 0, N, dtype=jnp.int32)
    # nn.Linear(in_dim, out_dim): W [out, in], b [out]
    bound = 1.0 / np.sqrt(D_IN)
    W = jax.random.uniform(k3, (D_OUT, D_IN), dtype=jnp.float32, minval=-bound, maxval=bound)
    b = jax.random.uniform(k4, (D_OUT,), dtype=jnp.float32, minval=-bound, maxval=bound)
    return {"x": x, "edge_index": edge_index, "W": W, "b": b}


def _normalize_adj(edge_index, num_nodes):
    loops = jnp.arange(num_nodes, dtype=edge_index.dtype)
    ei = jnp.concatenate([edge_index, jnp.stack([loops, loops], axis=0)], axis=1)
    row, col = ei[0], ei[1]
    deg = jax.ops.segment_sum(jnp.ones_like(col, dtype=jnp.float32), col, num_segments=num_nodes)
    deg_inv_sqrt = jnp.where(deg > 0, jax.lax.rsqrt(jnp.maximum(deg, 1e-30)), 0.0)
    ew = deg_inv_sqrt[row] * deg_inv_sqrt[col]
    return ei, ew


def reference(x, edge_index, W, b):
    num_nodes = x.shape[0]
    ei, ew = _normalize_adj(edge_index, num_nodes)
    row, col = ei[0], ei[1]
    h = x
    for _ in range(NUM_LAYERS):
        msg = h[col] * ew[:, None]
        h = jnp.zeros_like(h).at[row].add(msg)
    return h @ W.T + b

if __name__ == "__main__":
    import jax
    _d = setup_inputs()
    print(jax.jit(kernel)(*tuple(_d.values())))

</pallas_src>

<mosaic_0001>
#map = affine_map<(d0, d1) -> (0, 0)>
#map1 = affine_map<(d0, d1) -> (0, 0, 0)>
module attributes {stable_mosaic.version = 14 : i64} {
  func.func @_prop_body(%arg0: i32, %arg1: i32, %arg2: memref<10240x128xf32, #tpu.memory_space<hbm>>, %arg3: memref<32x79x128xi32, #tpu.memory_space<hbm>>, %arg4: memref<32x79x128xi32, #tpu.memory_space<hbm>>, %arg5: memref<2x10240x128xf32, #tpu.memory_space<hbm>>, %arg6: memref<10240x128xf32, #tpu.memory_space<vmem_shared>>, %arg7: memref<79x128xi32, #tpu.memory_space<vmem>>, %arg8: memref<79x128xi32, #tpu.memory_space<vmem>>, %arg9: memref<128x128xf32, #tpu.memory_space<vmem>>, %arg10: memref<!tpu.dma_semaphore, #tpu.memory_space<semaphore_mem>>) attributes {dimension_semantics = [#tpu.dimension_semantics<core_parallel>, #tpu.dimension_semantics<subcore_parallel>], iteration_bounds = array<i64: 2, 16>, scalar_prefetch = 0 : i64, scratch_operands = 5 : i64, tpu.core_type = #tpu.core_type<sc_vector_subcore>, window_params = [{transform_indices = #map}, {transform_indices = #map1}, {transform_indices = #map1}, {transform_indices = #map1}]} {
    %mul3A = arith.constant 2 : i32
    %mul3A_0 = arith.muli %arg1, %mul3A : i32
    %add3A = arith.addi %mul3A_0, %arg0 : i32
    %mul3A_1 = arith.constant 640 : i32
    %mul3A_2 = arith.muli %arg1, %mul3A_1 : i32
    %mul3A_3 = arith.constant 640 : i32
    %mul3A_4 = arith.muli %arg1, %mul3A_3 : i32
    "tpu.region"() ({
      %run_scoped3A = tpu.sem_alloc : memref<!tpu.dma_semaphore, #tpu.memory_space<semaphore_mem>>
      %dma_start3A = arith.constant 0 : i32
      %dma_start3A_16 = tpu.memref_slice %arg6[%mul3A_4, %dma_start3A] : memref<10240x128xf32, #tpu.memory_space<vmem_shared>> -> memref<640x128xf32, #tpu.memory_space<vmem_shared>>
      %dma_start3A_17 = arith.constant 0 : i32
      %dma_start3A_18 = tpu.memref_slice %arg2[%mul3A_2, %dma_start3A_17] : memref<10240x128xf32, #tpu.memory_space<hbm>> -> memref<640x128xf32, #tpu.memory_space<hbm>>
      tpu.enqueue_dma source(%dma_start3A_18 : memref<640x128xf32, #tpu.memory_space<hbm>>) target(%dma_start3A_16 : memref<640x128xf32, #tpu.memory_space<vmem_shared>>) target_semaphore(%run_scoped3A : memref<!tpu.dma_semaphore, #tpu.memory_space<semaphore_mem>>)
      %dma_wait3A = arith.constant 0 : i32
      %dma_wait3A_19 = tpu.memref_slice %arg6[%mul3A_4, %dma_wait3A] : memref<10240x128xf32, #tpu.memory_space<vmem_shared>> -> memref<640x128xf32, #tpu.memory_space<vmem_shared>>
      %dma_wait3A_20 = arith.constant 0 : i32
      %dma_wait3A_21 = tpu.memref_slice %arg2[%mul3A_2, %dma_wait3A_20] : memref<10240x128xf32, #tpu.memory_space<hbm>> -> memref<640x128xf32, #tpu.memory_space<hbm>>
      tpu.wait_dma2 semaphore(%run_scoped3A : memref<!tpu.dma_semaphore, #tpu.memory_space<semaphore_mem>>) src(%dma_wait3A_21 : memref<640x128xf32, #tpu.memory_space<hbm>>) dst(%dma_wait3A_19 : memref<640x128xf32, #tpu.memory_space<vmem_shared>>)
      tpu.yield
    }) : () -> ()
    "tpu.region"() ({
      %run_scoped3A = tpu.sem_alloc : memref<!tpu.dma_semaphore, #tpu.memory_space<semaphore_mem>>
      %dma_start3A = arith.constant 0 : i32
      %dma_start3A_16 = arith.constant 0 : i32
      %dma_start3A_17 = tpu.memref_slice %arg3[%add3A, %dma_start3A, %dma_start3A_16] : memref<32x79x128xi32, #tpu.memory_space<hbm>> -> memref<1x79x128xi32, #tpu.memory_space<hbm>>
      %dma_start3A_18 = tpu.memref_squeeze %dma_start3A_17 : memref<1x79x128xi32, #tpu.memory_space<hbm>> -> memref<79x128xi32, #tpu.memory_space<hbm>>
      %dma_start3A_19 = arith.constant 0 : i32
      %dma_start3A_20 = arith.constant 0 : i32
      %dma_start3A_21 = tpu.memref_slice %arg3[%add3A, %dma_start3A_19, %dma_start3A_20] : memref<32x79x128xi32, #tpu.memory_space<hbm>> -> memref<1x79x128xi32, #tpu.memory_space<hbm>>
      %dma_start3A_22 = tpu.memref_squeeze %dma_start3A_21 : memref<1x79x128xi32, #tpu.memory_space<hbm>> -> memref<79x128xi32, #tpu.memory_space<hbm>>
      tpu.enqueue_dma source(%dma_start3A_22 : memref<79x128xi32, #tpu.memory_space<hbm>>) target(%arg7 : memref<79x128xi32, #tpu.memory_space<vmem>>) target_semaphore(%run_scoped3A : memref<!tpu.dma_semaphore, #tpu.memory_space<semaphore_mem>>)
      %dma_wait3A = arith.constant 0 : i32
      %dma_wait3A_23 = arith.constant 0 : i32
      %dma_wait3A_24 = tpu.memref_slice %arg3[%add3A, %dma_wait3A, %dma_wait3A_23] : memref<32x79x128xi32, #tpu.memory_space<hbm>> -> memref<1x79x128xi32, #tpu.memory_space<hbm>>
      %dma_wait3A_25 = tpu.memref_squeeze %dma_wait3A_24 : memref<1x79x128xi32, #tpu.memory_space<hbm>> -> memref<79x128xi32, #tpu.memory_space<hbm>>
      %dma_wait3A_26 = arith.constant 0 : i32
      %dma_wait3A_27 = arith.constant 0 : i32
      %dma_wait3A_28 = tpu.memref_slice %arg3[%add3A, %dma_wait3A_26, %dma_wait3A_27] : memref<32x79x128xi32, #tpu.memory_space<hbm>> -> memref<1x79x128xi32, #tpu.memory_space<hbm>>
      %dma_wait3A_29 = tpu.memref_squeeze %dma_wait3A_28 : memref<1x79x128xi32, #tpu.memory_space<hbm>> -> memref<79x128xi32, #tpu.memory_space<hbm>>
      tpu.wait_dma2 semaphore(%run_scoped3A : memref<!tpu.dma_semaphore, #tpu.memory_space<semaphore_mem>>) src(%dma_wait3A_29 : memref<79x128xi32, #tpu.memory_space<hbm>>) dst(%arg7 : memref<79x128xi32, #tpu.memory_space<vmem>>)
      tpu.yield
    }) : () -> ()
    "tpu.region"() ({
      %run_scoped3A = tpu.sem_alloc : memref<!tpu.dma_semaphore, #tpu.memory_space<semaphore_mem>>
      %dma_start3A = arith.constant 0 : i32
      %dma_start3A_16 = arith.constant 0 : i32
      %dma_start3A_17 = tpu.memref_slice %arg4[%add3A, %dma_start3A, %dma_start3A_16] : memref<32x79x128xi32, #tpu.memory_space<hbm>> -> memref<1x79x128xi32, #tpu.memory_space<hbm>>
      %dma_start3A_18 = tpu.memref_squeeze %dma_start3A_17 : memref<1x79x128xi32, #tpu.memory_space<hbm>> -> memref<79x128xi32, #tpu.memory_space<hbm>>
      %dma_start3A_19 = arith.constant 0 : i32
      %dma_start3A_20 = arith.constant 0 : i32
      %dma_start3A_21 = tpu.memref_slice %arg4[%add3A, %dma_start3A_19, %dma_start3A_20] : memref<32x79x128xi32, #tpu.memory_space<hbm>> -> memref<1x79x128xi32, #tpu.memory_space<hbm>>
      %dma_start3A_22 = tpu.memref_squeeze %dma_start3A_21 : memref<1x79x128xi32, #tpu.memory_space<hbm>> -> memref<79x128xi32, #tpu.memory_space<hbm>>
      tpu.enqueue_dma source(%dma_start3A_22 : memref<79x128xi32, #tpu.memory_space<hbm>>) target(%arg8 : memref<79x128xi32, #tpu.memory_space<vmem>>) target_semaphore(%run_scoped3A : memref<!tpu.dma_semaphore, #tpu.memory_space<semaphore_mem>>)
      %dma_wait3A = arith.constant 0 : i32
      %dma_wait3A_23 = arith.constant 0 : i32
      %dma_wait3A_24 = tpu.memref_slice %arg4[%add3A, %dma_wait3A, %dma_wait3A_23] : memref<32x79x128xi32, #tpu.memory_space<hbm>> -> memref<1x79x128xi32, #tpu.memory_space<hbm>>
      %dma_wait3A_25 = tpu.memref_squeeze %dma_wait3A_24 : memref<1x79x128xi32, #tpu.memory_space<hbm>> -> memref<79x128xi32, #tpu.memory_space<hbm>>
      %dma_wait3A_26 = arith.constant 0 : i32
      %dma_wait3A_27 = arith.constant 0 : i32
      %dma_wait3A_28 = tpu.memref_slice %arg4[%add3A, %dma_wait3A_26, %dma_wait3A_27] : memref<32x79x128xi32, #tpu.memory_space<hbm>> -> memref<1x79x128xi32, #tpu.memory_space<hbm>>
      %dma_wait3A_29 = tpu.memref_squeeze %dma_wait3A_28 : memref<1x79x128xi32, #tpu.memory_space<hbm>> -> memref<79x128xi32, #tpu.memory_space<hbm>>
      tpu.wait_dma2 semaphore(%run_scoped3A : memref<!tpu.dma_semaphore, #tpu.memory_space<semaphore_mem>>) src(%dma_wait3A_29 : memref<79x128xi32, #tpu.memory_space<hbm>>) dst(%arg8 : memref<79x128xi32, #tpu.memory_space<vmem>>)
      tpu.yield
    }) : () -> ()
    %barrier3A = arith.constant 0 : index
    tpu.barrier barrier_id(%barrier3A)
    %scan3A = arith.constant 0 : i32
    %scan3A_5 = arith.constant 0 : i32
    %scan3A_6 = arith.constant 79 : i32
    %scan3A_7 = arith.addi %scan3A_5, %scan3A_6 : i32
    %scan3A_8 = arith.constant 1 : i32
    %scan3A_9 = scf.for %scan3A_16 = %scan3A_5 to %scan3A_7 step %scan3A_8 iter_args(%scan3A_17 = %scan3A) -> (i32)  : i32 {
      %dma_start3A = arith.constant 0 : i32
      %dma_start3A_18 = tpu.memref_slice %arg8[%scan3A_16, %dma_start3A] : memref<79x128xi32, #tpu.memory_space<vmem>> -> memref<1x128xi32, #tpu.memory_space<vmem>>
      %dma_start3A_19 = tpu.memref_squeeze %dma_start3A_18 : memref<1x128xi32, #tpu.memory_space<vmem>> -> memref<128xi32, #tpu.memory_space<vmem>>
      %dma_start3A_20 = arith.constant 0 : i32
      %dma_start3A_21 = arith.constant 0 : i32
      %dma_start3A_22 = tpu.memref_slice %arg2[%dma_start3A_20, %dma_start3A_21] : memref<10240x128xf32, #tpu.memory_space<hbm>> -> memref<10240x128xf32, #tpu.memory_space<hbm>>
      tpu.enqueue_indirect_dma source(%dma_start3A_22 : memref<10240x128xf32, #tpu.memory_space<hbm>>) target(%arg9 : memref<128x128xf32, #tpu.memory_space<vmem>>) offsets(%dma_start3A_19 : memref<128xi32, #tpu.memory_space<vmem>>) semaphore(%arg10 : memref<!tpu.dma_semaphore, #tpu.memory_space<semaphore_mem>>)
      %dma_wait3A = arith.constant 0 : i32
      %dma_wait3A_23 = tpu.memref_slice %arg8[%scan3A_16, %dma_wait3A] : memref<79x128xi32, #tpu.memory_space<vmem>> -> memref<1x128xi32, #tpu.memory_space<vmem>>
      %dma_wait3A_24 = tpu.memref_squeeze %dma_wait3A_23 : memref<1x128xi32, #tpu.memory_space<vmem>> -> memref<128xi32, #tpu.memory_space<vmem>>
      %dma_wait3A_25 = arith.constant 0 : i32
      %dma_wait3A_26 = arith.constant 0 : i32
      %dma_wait3A_27 = tpu.memref_slice %arg2[%dma_wait3A_25, %dma_wait3A_26] : memref<10240x128xf32, #tpu.memory_space<hbm>> -> memref<10240x128xf32, #tpu.memory_space<hbm>>
      tpu.wait_indirect_dma semaphore(%arg10 : memref<!tpu.dma_semaphore, #tpu.memory_space<semaphore_mem>>) src(%dma_wait3A_27 : memref<10240x128xf32, #tpu.memory_space<hbm>>) dst(%arg9 : memref<128x128xf32, #tpu.memory_space<vmem>>)
      "tpu.region"() ({
        %run_scoped3A = tpu.sem_alloc : memref<!tpu.dma_semaphore, #tpu.memory_space<semaphore_mem>>
        %dma_start3A_29 = arith.constant 0 : i32
        %dma_start3A_30 = tpu.memref_slice %arg7[%scan3A_16, %dma_start3A_29] : memref<79x128xi32, #tpu.memory_space<vmem>> -> memref<1x128xi32, #tpu.memory_space<vmem>>
        %dma_start3A_31 = tpu.memref_squeeze %dma_start3A_30 : memref<1x128xi32, #tpu.memory_space<vmem>> -> memref<128xi32, #tpu.memory_space<vmem>>
        %dma_start3A_32 = arith.constant 0 : i32
        %dma_start3A_33 = arith.constant 0 : i32
        %dma_start3A_34 = tpu.memref_slice %arg6[%dma_start3A_32, %dma_start3A_33] : memref<10240x128xf32, #tpu.memory_space<vmem_shared>> -> memref<10240x128xf32, #tpu.memory_space<vmem_shared>>
        tpu.enqueue_indirect_dma source(%arg9 : memref<128x128xf32, #tpu.memory_space<vmem>>) target(%dma_start3A_34 : memref<10240x128xf32, #tpu.memory_space<vmem_shared>>) offsets(%dma_start3A_31 : memref<128xi32, #tpu.memory_space<vmem>>) semaphore(%run_scoped3A : memref<!tpu.dma_semaphore, #tpu.memory_space<semaphore_mem>>) {add = true}
        %dma_wait3A_35 = arith.constant 0 : i32
        %dma_wait3A_36 = tpu.memref_slice %arg7[%scan3A_16, %dma_wait3A_35] : memref<79x128xi32, #tpu.memory_space<vmem>> -> memref<1x128xi32, #tpu.memory_space<vmem>>
        %dma_wait3A_37 = tpu.memref_squeeze %dma_wait3A_36 : memref<1x128xi32, #tpu.memory_space<vmem>> -> memref<128xi32, #tpu.memory_space<vmem>>
        %dma_wait3A_38 = arith.constant 0 : i32
        %dma_wait3A_39 = arith.constant 0 : i32
        %dma_wait3A_40 = tpu.memref_slice %arg6[%dma_wait3A_38, %dma_wait3A_39] : memref<10240x128xf32, #tpu.memory_space<vmem_shared>> -> memref<10240x128xf32, #tpu.memory_space<vmem_shared>>
        tpu.wait_indirect_dma semaphore(%run_scoped3A : memref<!tpu.dma_semaphore, #tpu.memory_space<semaphore_mem>>) src(%arg9 : memref<128x128xf32, #tpu.memory_space<vmem>>) dst(%dma_wait3A_40 : memref<10240x128xf32, #tpu.memory_space<vmem_shared>>)
        tpu.yield
      }) : () -> ()
      %scan3A_28 = arith.constant 0 : i32
      scf.yield %scan3A_28 : i32
    }
    %scan3A_10 = arith.constant 79 : i32
    %barrier3A_11 = arith.constant 0 : index
    tpu.barrier barrier_id(%barrier3A_11)
    %mul3A_12 = arith.constant 640 : i32
    %mul3A_13 = arith.muli %arg1, %mul3A_12 : i32
    %mul3A_14 = arith.constant 640 : i32
    %mul3A_15 = arith.muli %arg1, %mul3A_14 : i32
    "tpu.region"() ({
      %run_scoped3A = tpu.sem_alloc : memref<!tpu.dma_semaphore, #tpu.memory_space<semaphore_mem>>
      %dma_start3A = arith.constant 0 : i32
      %dma_start3A_16 = arith.constant 0 : i32
      %dma_start3A_17 = tpu.memref_slice %arg5[%arg0, %dma_start3A, %dma_start3A_16] : memref<2x10240x128xf32, #tpu.memory_space<hbm>> -> memref<1x10240x128xf32, #tpu.memory_space<hbm>>
      %dma_start3A_18 = tpu.memref_squeeze %dma_start3A_17 : memref<1x10240x128xf32, #tpu.memory_space<hbm>> -> memref<10240x128xf32, #tpu.memory_space<hbm>>
      %dma_start3A_19 = arith.constant 0 : i32
      %dma_start3A_20 = tpu.memref_slice %dma_start3A_18[%mul3A_15, %dma_start3A_19] : memref<10240x128xf32, #tpu.memory_space<hbm>> -> memref<640x128xf32, #tpu.memory_space<hbm>>
      %dma_start3A_21 = arith.constant 0 : i32
      %dma_start3A_22 = tpu.memref_slice %arg6[%mul3A_13, %dma_start3A_21] : memref<10240x128xf32, #tpu.memory_space<vmem_shared>> -> memref<640x128xf32, #tpu.memory_space<vmem_shared>>
      tpu.enqueue_dma source(%dma_start3A_22 : memref<640x128xf32, #tpu.memory_space<vmem_shared>>) target(%dma_start3A_20 : memref<640x128xf32, #tpu.memory_space<hbm>>) target_semaphore(%run_scoped3A : memref<!tpu.dma_semaphore, #tpu.memory_space<semaphore_mem>>)
      %dma_wait3A = arith.constant 0 : i32
      %dma_wait3A_23 = arith.constant 0 : i32
      %dma_wait3A_24 = tpu.memref_slice %arg5[%arg0, %dma_wait3A, %dma_wait3A_23] : memref<2x10240x128xf32, #tpu.memory_space<hbm>> -> memref<1x10240x128xf32, #tpu.memory_space<hbm>>
      %dma_wait3A_25 = tpu.memref_squeeze %dma_wait3A_24 : memref<1x10240x128xf32, #tpu.memory_space<hbm>> -> memref<10240x128xf32, #tpu.memory_space<hbm>>
      %dma_wait3A_26 = arith.constant 0 : i32
      %dma_wait3A_27 = tpu.memref_slice %dma_wait3A_25[%mul3A_15, %dma_wait3A_26] : memref<10240x128xf32, #tpu.memory_space<hbm>> -> memref<640x128xf32, #tpu.memory_space<hbm>>
      %dma_wait3A_28 = arith.constant 0 : i32
      %dma_wait3A_29 = tpu.memref_slice %arg6[%mul3A_13, %dma_wait3A_28] : memref<10240x128xf32, #tpu.memory_space<vmem_shared>> -> memref<640x128xf32, #tpu.memory_space<vmem_shared>>
      tpu.wait_dma2 semaphore(%run_scoped3A : memref<!tpu.dma_semaphore, #tpu.memory_space<semaphore_mem>>) src(%dma_wait3A_29 : memref<640x128xf32, #tpu.memory_space<vmem_shared>>) dst(%dma_wait3A_27 : memref<640x128xf32, #tpu.memory_space<hbm>>)
      tpu.yield
    }) : () -> ()
    return
  }
}

#map = affine_map<(d0, d1) -> (0, 0)>
#map1 = affine_map<(d0, d1) -> (0, 0, 0)>
module attributes {stable_mosaic.version = 14 : i64} {
  func.func @_prop_body(%arg0: i32, %arg1: i32, %arg2: memref<10240x128xf32, #tpu.memory_space<hbm>>, %arg3: memref<32x79x128xi32, #tpu.memory_space<hbm>>, %arg4: memref<32x79x128xi32, #tpu.memory_space<hbm>>, %arg5: memref<2x10240x128xf32, #tpu.memory_space<hbm>>, %arg6: memref<10240x128xf32, #tpu.memory_space<vmem_shared>>, %arg7: memref<79x128xi32, #tpu.memory_space<vmem>>, %arg8: memref<79x128xi32, #tpu.memory_space<vmem>>, %arg9: memref<128x128xf32, #tpu.memory_space<vmem>>, %arg10: memref<!tpu.dma_semaphore, #tpu.memory_space<semaphore_mem>>) attributes {dimension_semantics = [#tpu.dimension_semantics<core_parallel>, #tpu.dimension_semantics<subcore_parallel>], iteration_bounds = array<i64: 2, 16>, scalar_prefetch = 0 : i64, scratch_operands = 5 : i64, tpu.core_type = #tpu.core_type<sc_vector_subcore>, window_params = [{transform_indices = #map}, {transform_indices = #map1}, {transform_indices = #map1}, {transform_indices = #map1}]} {
    %mul3A = arith.constant 2 : i32
    %mul3A_0 = arith.muli %arg1, %mul3A : i32
    %add3A = arith.addi %mul3A_0, %arg0 : i32
    %mul3A_1 = arith.constant 640 : i32
    %mul3A_2 = arith.muli %arg1, %mul3A_1 : i32
    %mul3A_3 = arith.constant 640 : i32
    %mul3A_4 = arith.muli %arg1, %mul3A_3 : i32
    "tpu.region"() ({
      %run_scoped3A = tpu.sem_alloc : memref<!tpu.dma_semaphore, #tpu.memory_space<semaphore_mem>>
      %dma_start3A = arith.constant 0 : i32
      %dma_start3A_16 = tpu.memref_slice %arg6[%mul3A_4, %dma_start3A] : memref<10240x128xf32, #tpu.memory_space<vmem_shared>> -> memref<640x128xf32, #tpu.memory_space<vmem_shared>>
      %dma_start3A_17 = arith.constant 0 : i32
      %dma_start3A_18 = tpu.memref_slice %arg2[%mul3A_2, %dma_start3A_17] : memref<10240x128xf32, #tpu.memory_space<hbm>> -> memref<640x128xf32, #tpu.memory_space<hbm>>
      tpu.enqueue_dma source(%dma_start3A_18 : memref<640x128xf32, #tpu.memory_space<hbm>>) target(%dma_start3A_16 : memref<640x128xf32, #tpu.memory_space<vmem_shared>>) target_semaphore(%run_scoped3A : memref<!tpu.dma_semaphore, #tpu.memory_space<semaphore_mem>>)
      %dma_wait3A = arith.constant 0 : i32
      %dma_wait3A_19 = tpu.memref_slice %arg6[%mul3A_4, %dma_wait3A] : memref<10240x128xf32, #tpu.memory_space<vmem_shared>> -> memref<640x128xf32, #tpu.memory_space<vmem_shared>>
      %dma_wait3A_20 = arith.constant 0 : i32
      %dma_wait3A_21 = tpu.memref_slice %arg2[%mul3A_2, %dma_wait3A_20] : memref<10240x128xf32, #tpu.memory_space<hbm>> -> memref<640x128xf32, #tpu.memory_space<hbm>>
      tpu.wait_dma2 semaphore(%run_scoped3A : memref<!tpu.dma_semaphore, #tpu.memory_space<semaphore_mem>>) src(%dma_wait3A_21 : memref<640x128xf32, #tpu.memory_space<hbm>>) dst(%dma_wait3A_19 : memref<640x128xf32, #tpu.memory_space<vmem_shared>>)
      tpu.yield
    }) : () -> ()
    "tpu.region"() ({
      %run_scoped3A = tpu.sem_alloc : memref<!tpu.dma_semaphore, #tpu.memory_space<semaphore_mem>>
      %dma_start3A = arith.constant 0 : i32
      %dma_start3A_16 = arith.constant 0 : i32
      %dma_start3A_17 = tpu.memref_slice %arg3[%add3A, %dma_start3A, %dma_start3A_16] : memref<32x79x128xi32, #tpu.memory_space<hbm>> -> memref<1x79x128xi32, #tpu.memory_space<hbm>>
      %dma_start3A_18 = tpu.memref_squeeze %dma_start3A_17 : memref<1x79x128xi32, #tpu.memory_space<hbm>> -> memref<79x128xi32, #tpu.memory_space<hbm>>
      %dma_start3A_19 = arith.constant 0 : i32
      %dma_start3A_20 = arith.constant 0 : i32
      %dma_start3A_21 = tpu.memref_slice %arg3[%add3A, %dma_start3A_19, %dma_start3A_20] : memref<32x79x128xi32, #tpu.memory_space<hbm>> -> memref<1x79x128xi32, #tpu.memory_space<hbm>>
      %dma_start3A_22 = tpu.memref_squeeze %dma_start3A_21 : memref<1x79x128xi32, #tpu.memory_space<hbm>> -> memref<79x128xi32, #tpu.memory_space<hbm>>
      tpu.enqueue_dma source(%dma_start3A_22 : memref<79x128xi32, #tpu.memory_space<hbm>>) target(%arg7 : memref<79x128xi32, #tpu.memory_space<vmem>>) target_semaphore(%run_scoped3A : memref<!tpu.dma_semaphore, #tpu.memory_space<semaphore_mem>>)
      %dma_wait3A = arith.constant 0 : i32
      %dma_wait3A_23 = arith.constant 0 : i32
      %dma_wait3A_24 = tpu.memref_slice %arg3[%add3A, %dma_wait3A, %dma_wait3A_23] : memref<32x79x128xi32, #tpu.memory_space<hbm>> -> memref<1x79x128xi32, #tpu.memory_space<hbm>>
      %dma_wait3A_25 = tpu.memref_squeeze %dma_wait3A_24 : memref<1x79x128xi32, #tpu.memory_space<hbm>> -> memref<79x128xi32, #tpu.memory_space<hbm>>
      %dma_wait3A_26 = arith.constant 0 : i32
      %dma_wait3A_27 = arith.constant 0 : i32
      %dma_wait3A_28 = tpu.memref_slice %arg3[%add3A, %dma_wait3A_26, %dma_wait3A_27] : memref<32x79x128xi32, #tpu.memory_space<hbm>> -> memref<1x79x128xi32, #tpu.memory_space<hbm>>
      %dma_wait3A_29 = tpu.memref_squeeze %dma_wait3A_28 : memref<1x79x128xi32, #tpu.memory_space<hbm>> -> memref<79x128xi32, #tpu.memory_space<hbm>>
      tpu.wait_dma2 semaphore(%run_scoped3A : memref<!tpu.dma_semaphore, #tpu.memory_space<semaphore_mem>>) src(%dma_wait3A_29 : memref<79x128xi32, #tpu.memory_space<hbm>>) dst(%arg7 : memref<79x128xi32, #tpu.memory_space<vmem>>)
      tpu.yield
    }) : () -> ()
    "tpu.region"() ({
      %run_scoped3A = tpu.sem_alloc : memref<!tpu.dma_semaphore, #tpu.memory_space<semaphore_mem>>
      %dma_start3A = arith.constant 0 : i32
      %dma_start3A_16 = arith.constant 0 : i32
      %dma_start3A_17 = tpu.memref_slice %arg4[%add3A, %dma_start3A, %dma_start3A_16] : memref<32x79x128xi32, #tpu.memory_space<hbm>> -> memref<1x79x128xi32, #tpu.memory_space<hbm>>
      %dma_start3A_18 = tpu.memref_squeeze %dma_start3A_17 : memref<1x79x128xi32, #tpu.memory_space<hbm>> -> memref<79x128xi32, #tpu.memory_space<hbm>>
      %dma_start3A_19 = arith.constant 0 : i32
      %dma_start3A_20 = arith.constant 0 : i32
      %dma_start3A_21 = tpu.memref_slice %arg4[%add3A, %dma_start3A_19, %dma_start3A_20] : memref<32x79x128xi32, #tpu.memory_space<hbm>> -> memref<1x79x128xi32, #tpu.memory_space<hbm>>
      %dma_start3A_22 = tpu.memref_squeeze %dma_start3A_21 : memref<1x79x128xi32, #tpu.memory_space<hbm>> -> memref<79x128xi32, #tpu.memory_space<hbm>>
      tpu.enqueue_dma source(%dma_start3A_22 : memref<79x128xi32, #tpu.memory_space<hbm>>) target(%arg8 : memref<79x128xi32, #tpu.memory_space<vmem>>) target_semaphore(%run_scoped3A : memref<!tpu.dma_semaphore, #tpu.memory_space<semaphore_mem>>)
      %dma_wait3A = arith.constant 0 : i32
      %dma_wait3A_23 = arith.constant 0 : i32
      %dma_wait3A_24 = tpu.memref_slice %arg4[%add3A, %dma_wait3A, %dma_wait3A_23] : memref<32x79x128xi32, #tpu.memory_space<hbm>> -> memref<1x79x128xi32, #tpu.memory_space<hbm>>
      %dma_wait3A_25 = tpu.memref_squeeze %dma_wait3A_24 : memref<1x79x128xi32, #tpu.memory_space<hbm>> -> memref<79x128xi32, #tpu.memory_space<hbm>>
      %dma_wait3A_26 = arith.constant 0 : i32
      %dma_wait3A_27 = arith.constant 0 : i32
      %dma_wait3A_28 = tpu.memref_slice %arg4[%add3A, %dma_wait3A_26, %dma_wait3A_27] : memref<32x79x128xi32, #tpu.memory_space<hbm>> -> memref<1x79x128xi32, #tpu.memory_space<hbm>>
      %dma_wait3A_29 = tpu.memref_squeeze %dma_wait3A_28 : memref<1x79x128xi32, #tpu.memory_space<hbm>> -> memref<79x128xi32, #tpu.memory_space<hbm>>
      tpu.wait_dma2 semaphore(%run_scoped3A : memref<!tpu.dma_semaphore, #tpu.memory_space<semaphore_mem>>) src(%dma_wait3A_29 : memref<79x128xi32, #tpu.memory_space<hbm>>) dst(%arg8 : memref<79x128xi32, #tpu.memory_space<vmem>>)
      tpu.yield
    }) : () -> ()
    %barrier3A = arith.constant 0 : index
    tpu.barrier barrier_id(%barrier3A)
    %scan3A = arith.constant 0 : i32
    %scan3A_5 = arith.constant 0 : i32
    %scan3A_6 = arith.constant 79 : i32
    %scan3A_7 = arith.addi %scan3A_5, %scan3A_6 : i32
    %scan3A_8 = arith.constant 1 : i32
    %scan3A_9 = scf.for %scan3A_16 = %scan3A_5 to %scan3A_7 step %scan3A_8 iter_args(%scan3A_17 = %scan3A) -> (i32)  : i32 {
      %dma_start3A = arith.constant 0 : i32
      %dma_start3A_18 = tpu.memref_slice %arg8[%scan3A_16, %dma_start3A] : memref<79x128xi32, #tpu.memory_space<vmem>> -> memref<1x128xi32, #tpu.memory_space<vmem>>
      %dma_start3A_19 = tpu.memref_squeeze %dma_start3A_18 : memref<1x128xi32, #tpu.memory_space<vmem>> -> memref<128xi32, #tpu.memory_space<vmem>>
      %dma_start3A_20 = arith.constant 0 : i32
      %dma_start3A_21 = arith.constant 0 : i32
      %dma_start3A_22 = tpu.memref_slice %arg2[%dma_start3A_20, %dma_start3A_21] : memref<10240x128xf32, #tpu.memory_space<hbm>> -> memref<10240x128xf32, #tpu.memory_space<hbm>>
      tpu.enqueue_indirect_dma source(%dma_start3A_22 : memref<10240x128xf32, #tpu.memory_space<hbm>>) target(%arg9 : memref<128x128xf32, #tpu.memory_space<vmem>>) offsets(%dma_start3A_19 : memref<128xi32, #tpu.memory_space<vmem>>) semaphore(%arg10 : memref<!tpu.dma_semaphore, #tpu.memory_space<semaphore_mem>>)
      %dma_wait3A = arith.constant 0 : i32
      %dma_wait3A_23 = tpu.memref_slice %arg8[%scan3A_16, %dma_wait3A] : memref<79x128xi32, #tpu.memory_space<vmem>> -> memref<1x128xi32, #tpu.memory_space<vmem>>
      %dma_wait3A_24 = tpu.memref_squeeze %dma_wait3A_23 : memref<1x128xi32, #tpu.memory_space<vmem>> -> memref<128xi32, #tpu.memory_space<vmem>>
      %dma_wait3A_25 = arith.constant 0 : i32
      %dma_wait3A_26 = arith.constant 0 : i32
      %dma_wait3A_27 = tpu.memref_slice %arg2[%dma_wait3A_25, %dma_wait3A_26] : memref<10240x128xf32, #tpu.memory_space<hbm>> -> memref<10240x128xf32, #tpu.memory_space<hbm>>
      tpu.wait_indirect_dma semaphore(%arg10 : memref<!tpu.dma_semaphore, #tpu.memory_space<semaphore_mem>>) src(%dma_wait3A_27 : memref<10240x128xf32, #tpu.memory_space<hbm>>) dst(%arg9 : memref<128x128xf32, #tpu.memory_space<vmem>>)
      "tpu.region"() ({
        %run_scoped3A = tpu.sem_alloc : memref<!tpu.dma_semaphore, #tpu.memory_space<semaphore_mem>>
        %dma_start3A_29 = arith.constant 0 : i32
        %dma_start3A_30 = tpu.memref_slice %arg7[%scan3A_16, %dma_start3A_29] : memref<79x128xi32, #tpu.memory_space<vmem>> -> memref<1x128xi32, #tpu.memory_space<vmem>>
        %dma_start3A_31 = tpu.memref_squeeze %dma_start3A_30 : memref<1x128xi32, #tpu.memory_space<vmem>> -> memref<128xi32, #tpu.memory_space<vmem>>
        %dma_start3A_32 = arith.constant 0 : i32
        %dma_start3A_33 = arith.constant 0 : i32
        %dma_start3A_34 = tpu.memref_slice %arg6[%dma_start3A_32, %dma_start3A_33] : memref<10240x128xf32, #tpu.memory_space<vmem_shared>> -> memref<10240x128xf32, #tpu.memory_space<vmem_shared>>
        tpu.enqueue_indirect_dma source(%arg9 : memref<128x128xf32, #tpu.memory_space<vmem>>) target(%dma_start3A_34 : memref<10240x128xf32, #tpu.memory_space<vmem_shared>>) offsets(%dma_start3A_31 : memref<128xi32, #tpu.memory_space<vmem>>) semaphore(%run_scoped3A : memref<!tpu.dma_semaphore, #tpu.memory_space<semaphore_mem>>) {add = true}
        %dma_wait3A_35 = arith.constant 0 : i32
        %dma_wait3A_36 = tpu.memref_slice %arg7[%scan3A_16, %dma_wait3A_35] : memref<79x128xi32, #tpu.memory_space<vmem>> -> memref<1x128xi32, #tpu.memory_space<vmem>>
        %dma_wait3A_37 = tpu.memref_squeeze %dma_wait3A_36 : memref<1x128xi32, #tpu.memory_space<vmem>> -> memref<128xi32, #tpu.memory_space<vmem>>
        %dma_wait3A_38 = arith.constant 0 : i32
        %dma_wait3A_39 = arith.constant 0 : i32
        %dma_wait3A_40 = tpu.memref_slice %arg6[%dma_wait3A_38, %dma_wait3A_39] : memref<10240x128xf32, #tpu.memory_space<vmem_shared>> -> memref<10240x128xf32, #tpu.memory_space<vmem_shared>>
        tpu.wait_indirect_dma semaphore(%run_scoped3A : memref<!tpu.dma_semaphore, #tpu.memory_space<semaphore_mem>>) src(%arg9 : memref<128x128xf32, #tpu.memory_space<vmem>>) dst(%dma_wait3A_40 : memref<10240x128xf32, #tpu.memory_space<vmem_shared>>)
        tpu.yield
      }) : () -> ()
      %scan3A_28 = arith.constant 0 : i32
      scf.yield %scan3A_28 : i32
    }
    %scan3A_10 = arith.constant 79 : i32
    %barrier3A_11 = arith.constant 0 : index
    tpu.barrier barrier_id(%barrier3A_11)
    %mul3A_12 = arith.constant 640 : i32
    %mul3A_13 = arith.muli %arg1, %mul3A_12 : i32
    %mul3A_14 = arith.constant 640 : i32
    %mul3A_15 = arith.muli %arg1, %mul3A_14 : i32
    "tpu.region"() ({
      %run_scoped3A = tpu.sem_alloc : memref<!tpu.dma_semaphore, #tpu.memory_space<semaphore_mem>>
      %dma_start3A = arith.constant 0 : i32
      %dma_start3A_16 = arith.constant 0 : i32
      %dma_start3A_17 = tpu.memref_slice %arg5[%arg0, %dma_start3A, %dma_start3A_16] : memref<2x10240x128xf32, #tpu.memory_space<hbm>> -> memref<1x10240x128xf32, #tpu.memory_space<hbm>>
      %dma_start3A_18 = tpu.memref_squeeze %dma_start3A_17 : memref<1x10240x128xf32, #tpu.memory_space<hbm>> -> memref<10240x128xf32, #tpu.memory_space<hbm>>
      %dma_start3A_19 = arith.constant 0 : i32
      %dma_start3A_20 = tpu.memref_slice %dma_start3A_18[%mul3A_15, %dma_start3A_19] : memref<10240x128xf32, #tpu.memory_space<hbm>> -> memref<640x128xf32, #tpu.memory_space<hbm>>
      %dma_start3A_21 = arith.constant 0 : i32
      %dma_start3A_22 = tpu.memref_slice %arg6[%mul3A_13, %dma_start3A_21] : memref<10240x128xf32, #tpu.memory_space<vmem_shared>> -> memref<640x128xf32, #tpu.memory_space<vmem_shared>>
      tpu.enqueue_dma source(%dma_start3A_22 : memref<640x128xf32, #tpu.memory_space<vmem_shared>>) target(%dma_start3A_20 : memref<640x128xf32, #tpu.memory_space<hbm>>) target_semaphore(%run_scoped3A : memref<!tpu.dma_semaphore, #tpu.memory_space<semaphore_mem>>)
      %dma_wait3A = arith.constant 0 : i32
      %dma_wait3A_23 = arith.constant 0 : i32
      %dma_wait3A_24 = tpu.memref_slice %arg5[%arg0, %dma_wait3A, %dma_wait3A_23] : memref<2x10240x128xf32, #tpu.memory_space<hbm>> -> memref<1x10240x128xf32, #tpu.memory_space<hbm>>
      %dma_wait3A_25 = tpu.memref_squeeze %dma_wait3A_24 : memref<1x10240x128xf32, #tpu.memory_space<hbm>> -> memref<10240x128xf32, #tpu.memory_space<hbm>>
      %dma_wait3A_26 = arith.constant 0 : i32
      %dma_wait3A_27 = tpu.memref_slice %dma_wait3A_25[%mul3A_15, %dma_wait3A_26] : memref<10240x128xf32, #tpu.memory_space<hbm>> -> memref<640x128xf32, #tpu.memory_space<hbm>>
      %dma_wait3A_28 = arith.constant 0 : i32
      %dma_wait3A_29 = tpu.memref_slice %arg6[%mul3A_13, %dma_wait3A_28] : memref<10240x128xf32, #tpu.memory_space<vmem_shared>> -> memref<640x128xf32, #tpu.memory_space<vmem_shared>>
      tpu.wait_dma2 semaphore(%run_scoped3A : memref<!tpu.dma_semaphore, #tpu.memory_space<semaphore_mem>>) src(%dma_wait3A_29 : memref<640x128xf32, #tpu.memory_space<vmem_shared>>) dst(%dma_wait3A_27 : memref<640x128xf32, #tpu.memory_space<hbm>>)
      tpu.yield
    }) : () -> ()
    return
  }
}

#map = affine_map<(d0, d1) -> (0, 0)>
module attributes {stable_mosaic.version = 14 : i64} {
  func.func @_deg_body(%arg0: i32, %arg1: i32, %arg2: memref<32x10112xi32, #tpu.memory_space<hbm>>, %arg3: memref<32x10240xf32, #tpu.memory_space<hbm>>, %arg4: memref<10240xf32, #tpu.memory_space<vmem>>, %arg5: memref<10112xi32, #tpu.memory_space<vmem>>) attributes {dimension_semantics = [#tpu.dimension_semantics<core_parallel>, #tpu.dimension_semantics<subcore_parallel>], iteration_bounds = array<i64: 2, 16>, scalar_prefetch = 0 : i64, scratch_operands = 2 : i64, tpu.core_type = #tpu.core_type<sc_vector_subcore>, window_params = [{transform_indices = #map}, {transform_indices = #map}]} {
    %mul3A = arith.constant 2 : i32
    %mul3A_0 = arith.muli %arg1, %mul3A : i32
    %add3A = arith.addi %mul3A_0, %arg0 : i32
    %broadcast_in_dim3A = arith.constant 0.000000e+00 : f32
    %broadcast_in_dim3A_1 = vector.broadcast %broadcast_in_dim3A : f32 to vector<16xf32>
    %scan3A = arith.constant 0 : i32
    %scan3A_2 = arith.constant 0 : i32
    %scan3A_3 = arith.constant 640 : i32
    %scan3A_4 = arith.addi %scan3A_2, %scan3A_3 : i32
    %scan3A_5 = arith.constant 1 : i32
    %scan3A_6 = scf.for %scan3A_17 = %scan3A_2 to %scan3A_4 step %scan3A_5 iter_args(%scan3A_18 = %scan3A) -> (i32)  : i32 {
      %mul3A_19 = arith.constant 16 : i32
      %mul3A_20 = arith.muli %scan3A_17, %mul3A_19 : i32
      %swap3A = arith.index_cast %mul3A_20 : i32 to index
      %swap3A_21 = tpu.vector_load %arg4[%swap3A] {strides = array<i32>} : memref<10240xf32, #tpu.memory_space<vmem>>, vector<16xf32>,
      tpu.vector_store %arg4[%swap3A], %broadcast_in_dim3A_1 {strides = array<i32>} : memref<10240xf32, #tpu.memory_space<vmem>>, vector<16xf32>,
      %scan3A_22 = arith.constant 0 : i32
      scf.yield %scan3A_22 : i32
    }
    %scan3A_7 = arith.constant 640 : i32
    "tpu.region"() ({
      %run_scoped3A = tpu.sem_alloc : memref<!tpu.dma_semaphore, #tpu.memory_space<semaphore_mem>>
      %dma_start3A = arith.constant 0 : i32
      %dma_start3A_17 = tpu.memref_slice %arg2[%add3A, %dma_start3A] : memref<32x10112xi32, #tpu.memory_space<hbm>> -> memref<1x10112xi32, #tpu.memory_space<hbm>>
      %dma_start3A_18 = tpu.memref_squeeze %dma_start3A_17 : memref<1x10112xi32, #tpu.memory_space<hbm>> -> memref<10112xi32, #tpu.memory_space<hbm>>
      %dma_start3A_19 = arith.constant 0 : i32
      %dma_start3A_20 = tpu.memref_slice %arg2[%add3A, %dma_start3A_19] : memref<32x10112xi32, #tpu.memory_space<hbm>> -> memref<1x10112xi32, #tpu.memory_space<hbm>>
      %dma_start3A_21 = tpu.memref_squeeze %dma_start3A_20 : memref<1x10112xi32, #tpu.memory_space<hbm>> -> memref<10112xi32, #tpu.memory_space<hbm>>
      tpu.enqueue_dma source(%dma_start3A_21 : memref<10112xi32, #tpu.memory_space<hbm>>) target(%arg5 : memref<10112xi32, #tpu.memory_space<vmem>>) target_semaphore(%run_scoped3A : memref<!tpu.dma_semaphore, #tpu.memory_space<semaphore_mem>>)
      %dma_wait3A = arith.constant 0 : i32
      %dma_wait3A_22 = tpu.memref_slice %arg2[%add3A, %dma_wait3A] : memref<32x10112xi32, #tpu.memory_space<hbm>> -> memref<1x10112xi32, #tpu.memory_space<hbm>>
      %dma_wait3A_23 = tpu.memref_squeeze %dma_wait3A_22 : memref<1x10112xi32, #tpu.memory_space<hbm>> -> memref<10112xi32, #tpu.memory_space<hbm>>
      %dma_wait3A_24 = arith.constant 0 : i32
      %dma_wait3A_25 = tpu.memref_slice %arg2[%add3A, %dma_wait3A_24] : memref<32x10112xi32, #tpu.memory_space<hbm>> -> memref<1x10112xi32, #tpu.memory_space<hbm>>
      %dma_wait3A_26 = tpu.memref_squeeze %dma_wait3A_25 : memref<1x10112xi32, #tpu.memory_space<hbm>> -> memref<10112xi32, #tpu.memory_space<hbm>>
      tpu.wait_dma2 semaphore(%run_scoped3A : memref<!tpu.dma_semaphore, #tpu.memory_space<semaphore_mem>>) src(%dma_wait3A_26 : memref<10112xi32, #tpu.memory_space<hbm>>) dst(%arg5 : memref<10112xi32, #tpu.memory_space<vmem>>)
      tpu.yield
    }) : () -> ()
    %broadcast_in_dim3A_8 = arith.constant 1.000000e+00 : f32
    %broadcast_in_dim3A_9 = vector.broadcast %broadcast_in_dim3A_8 : f32 to vector<16xf32>
    %scan3A_10 = arith.constant 0 : i32
    %scan3A_11 = arith.constant 0 : i32
    %scan3A_12 = arith.constant 632 : i32
    %scan3A_13 = arith.addi %scan3A_11, %scan3A_12 : i32
    %scan3A_14 = arith.constant 1 : i32
    %scan3A_15 = scf.for %scan3A_17 = %scan3A_11 to %scan3A_13 step %scan3A_14 iter_args(%scan3A_18 = %scan3A_10) -> (i32)  : i32 {
      %mul3A_19 = arith.constant 16 : i32
      %mul3A_20 = arith.muli %scan3A_17, %mul3A_19 : i32
      %get3A = arith.index_cast %mul3A_20 : i32 to index
      %get3A_21 = tpu.vector_load %arg5[%get3A] {strides = array<i32>} : memref<10112xi32, #tpu.memory_space<vmem>>, vector<16xi32>,
      tpu.vector_store_idx %arg4[%get3A_21], %broadcast_in_dim3A_9 {add = true} : memref<10240xf32, #tpu.memory_space<vmem>>[vector<16xi32>], vector<16xf32>,
      %scan3A_22 = arith.constant 0 : i32
      scf.yield %scan3A_22 : i32
    }
    %scan3A_16 = arith.constant 632 : i32
    "tpu.region"() ({
      %run_scoped3A = tpu.sem_alloc : memref<!tpu.dma_semaphore, #tpu.memory_space<semaphore_mem>>
      %dma_start3A = arith.constant 0 : i32
      %dma_start3A_17 = tpu.memref_slice %arg3[%add3A, %dma_start3A] : memref<32x10240xf32, #tpu.memory_space<hbm>> -> memref<1x10240xf32, #tpu.memory_space<hbm>>
      %dma_start3A_18 = tpu.memref_squeeze %dma_start3A_17 : memref<1x10240xf32, #tpu.memory_space<hbm>> -> memref<10240xf32, #tpu.memory_space<hbm>>
      %dma_start3A_19 = arith.constant 0 : i32
      %dma_start3A_20 = tpu.memref_slice %arg3[%add3A, %dma_start3A_19] : memref<32x10240xf32, #tpu.memory_space<hbm>> -> memref<1x10240xf32, #tpu.memory_space<hbm>>
      %dma_start3A_21 = tpu.memref_squeeze %dma_start3A_20 : memref<1x10240xf32, #tpu.memory_space<hbm>> -> memref<10240xf32, #tpu.memory_space<hbm>>
      tpu.enqueue_dma source(%arg4 : memref<10240xf32, #tpu.memory_space<vmem>>) target(%dma_start3A_21 : memref<10240xf32, #tpu.memory_space<hbm>>) target_semaphore(%run_scoped3A : memref<!tpu.dma_semaphore, #tpu.memory_space<semaphore_mem>>)
      %dma_wait3A = arith.constant 0 : i32
      %dma_wait3A_22 = tpu.memref_slice %arg3[%add3A, %dma_wait3A] : memref<32x10240xf32, #tpu.memory_space<hbm>> -> memref<1x10240xf32, #tpu.memory_space<hbm>>
      %dma_wait3A_23 = tpu.memref_squeeze %dma_wait3A_22 : memref<1x10240xf32, #tpu.memory_space<hbm>> -> memref<10240xf32, #tpu.memory_space<hbm>>
      %dma_wait3A_24 = arith.constant 0 : i32
      %dma_wait3A_25 = tpu.memref_slice %arg3[%add3A, %dma_wait3A_24] : memref<32x10240xf32, #tpu.memory_space<hbm>> -> memref<1x10240xf32, #tpu.memory_space<hbm>>
      %dma_wait3A_26 = tpu.memref_squeeze %dma_wait3A_25 : memref<1x10240xf32, #tpu.memory_space<hbm>> -> memref<10240xf32, #tpu.memory_space<hbm>>
      tpu.wait_dma2 semaphore(%run_scoped3A : memref<!tpu.dma_semaphore, #tpu.memory_space<semaphore_mem>>) src(%arg4 : memref<10240xf32, #tpu.memory_space<vmem>>) dst(%dma_wait3A_26 : memref<10240xf32, #tpu.memory_space<hbm>>)
      tpu.yield
    }) : () -> ()
    return
  }
}

module attributes {stable_mosaic.version = 14 : i64} {
  func.func @_prescale_body(%arg0: i32, %arg1: memref<32x2048xf32, #tpu.memory_space<vmem>>, %arg2: memref<2048x128xf32, #tpu.memory_space<vmem>>, %arg3: memref<2048x128xf32, #tpu.memory_space<vmem>>) attributes {dimension_semantics = [#tpu.dimension_semantics<arbitrary>], iteration_bounds = array<i64: 5>, scalar_prefetch = 0 : i64, scratch_operands = 0 : i64, tpu.core_type = #tpu.core_type<tc>, window_params = [{transform_indices = @transform_0, window_bounds = array<i64: 32, 2048>}, {transform_indices = @transform_1, window_bounds = array<i64: 2048, 128>}, {transform_indices = @transform_2, window_bounds = array<i64: 2048, 128>}]} {
    %get3A = arith.constant 0 : index
    %get3A_0 = arith.constant 0 : index
    %get3A_1 = vector.load %arg1[%get3A, %get3A_0] : memref<32x2048xf32, #tpu.memory_space<vmem>>, vector<32x2048xf32>
    %reduce_sum3A = arith.constant dense<0.000000e+00> : vector<2048xf32>
    %reduce_sum3A_2 = vector.multi_reduction <add>, %get3A_1, %reduce_sum3A [0] : vector<32x2048xf32> to vector<2048xf32>
    %add3A = arith.constant 1.000000e+00 : f32
    %add3A_3 = vector.broadcast %add3A : f32 to vector<2048xf32>
    %add3A_4 = arith.addf %reduce_sum3A_2, %add3A_3 : vector<2048xf32>
    %rsqrt3A = math.rsqrt %add3A_4 : vector<2048xf32>
    %get3A_5 = arith.constant 0 : index
    %get3A_6 = arith.constant 0 : index
    %get3A_7 = vector.load %arg2[%get3A_5, %get3A_6] : memref<2048x128xf32, #tpu.memory_space<vmem>>, vector<2048x128xf32>
    %broadcast_in_dim3A = vector.shape_cast %rsqrt3A : vector<2048xf32> to vector<2048x1xf32>
    %mul3A = vector.broadcast %broadcast_in_dim3A : vector<2048x1xf32> to vector<2048x128xf32>
    %mul3A_8 = arith.mulf %get3A_7, %mul3A : vector<2048x128xf32>
    %swap3A = arith.constant 0 : index
    %swap3A_9 = arith.constant 0 : index
    %swap3A_10 = vector.load %arg3[%swap3A, %swap3A_9] : memref<2048x128xf32, #tpu.memory_space<vmem>>, vector<2048x128xf32>
    tpu.vector_store %arg3[%swap3A, %swap3A_9], %mul3A_8 {strides = array<i32>} : memref<2048x128xf32, #tpu.memory_space<vmem>>, vector<2048x128xf32>,
    return
  }
  func.func @transform_0(%arg0: i32) -> (i32, i32) {
    %c0_i32 = arith.constant 0 : i32
    %c0_i32_0 = arith.constant 0 : i32
    return %c0_i32, %arg0 : i32, i32
  }
  func.func @transform_1(%arg0: i32) -> (i32, i32) {
    %c0_i32 = arith.constant 0 : i32
    %c0_i32_0 = arith.constant 0 : i32
    return %arg0, %c0_i32 : i32, i32
  }
  func.func @transform_2(%arg0: i32) -> (i32, i32) {
    %c0_i32 = arith.constant 0 : i32
    %c0_i32_0 = arith.constant 0 : i32
    return %arg0, %c0_i32 : i32, i32
  }
}

module attributes {stable_mosaic.version = 14 : i64} {
  func.func @_combine_mid_body(%arg0: i32, %arg1: memref<32x2048xf32, #tpu.memory_space<vmem>>, %arg2: memref<2x2048x128xf32, #tpu.memory_space<vmem>>, %arg3: memref<2048x128xf32, #tpu.memory_space<vmem>>, %arg4: memref<2048x128xf32, #tpu.memory_space<vmem>>) attributes {dimension_semantics = [#tpu.dimension_semantics<arbitrary>], iteration_bounds = array<i64: 5>, scalar_prefetch = 0 : i64, scratch_operands = 0 : i64, tpu.core_type = #tpu.core_type<tc>, window_params = [{transform_indices = @transform_0, window_bounds = array<i64: 32, 2048>}, {transform_indices = @transform_1, window_bounds = array<i64: 2, 2048, 128>}, {transform_indices = @transform_2, window_bounds = array<i64: 2048, 128>}, {transform_indices = @transform_3, window_bounds = array<i64: 2048, 128>}]} {
    %get3A = arith.constant 0 : index
    %get3A_0 = arith.constant 0 : index
    %get3A_1 = vector.load %arg1[%get3A, %get3A_0] : memref<32x2048xf32, #tpu.memory_space<vmem>>, vector<32x2048xf32>
    %reduce_sum3A = arith.constant dense<0.000000e+00> : vector<2048xf32>
    %reduce_sum3A_2 = vector.multi_reduction <add>, %get3A_1, %reduce_sum3A [0] : vector<32x2048xf32> to vector<2048xf32>
    %add3A = arith.constant 1.000000e+00 : f32
    %add3A_3 = vector.broadcast %add3A : f32 to vector<2048xf32>
    %add3A_4 = arith.addf %reduce_sum3A_2, %add3A_3 : vector<2048xf32>
    %rsqrt3A = math.rsqrt %add3A_4 : vector<2048xf32>
    %get3A_5 = arith.constant 0 : index
    %get3A_6 = arith.constant 0 : index
    %get3A_7 = arith.constant 0 : index
    %get3A_8 = vector.load %arg2[%get3A_5, %get3A_6, %get3A_7] : memref<2x2048x128xf32, #tpu.memory_space<vmem>>, vector<1x2048x128xf32>
    %get3A_9 = vector.shape_cast %get3A_8 : vector<1x2048x128xf32> to vector<2048x128xf32>
    %get3A_10 = arith.constant 1 : index
    %get3A_11 = arith.constant 0 : index
    %get3A_12 = arith.constant 0 : index
    %get3A_13 = vector.load %arg2[%get3A_10, %get3A_11, %get3A_12] : memref<2x2048x128xf32, #tpu.memory_space<vmem>>, vector<1x2048x128xf32>
    %get3A_14 = vector.shape_cast %get3A_13 : vector<1x2048x128xf32> to vector<2048x128xf32>
    %add3A_15 = arith.addf %get3A_9, %get3A_14 : vector<2048x128xf32>
    %get3A_16 = arith.constant 0 : index
    %get3A_17 = arith.constant 0 : index
    %get3A_18 = vector.load %arg3[%get3A_16, %get3A_17] : memref<2048x128xf32, #tpu.memory_space<vmem>>, vector<2048x128xf32>
    %sub3A = arith.subf %add3A_15, %get3A_18 : vector<2048x128xf32>
    %mul3A = arith.mulf %rsqrt3A, %rsqrt3A : vector<2048xf32>
    %broadcast_in_dim3A = vector.shape_cast %mul3A : vector<2048xf32> to vector<2048x1xf32>
    %mul3A_19 = vector.broadcast %broadcast_in_dim3A : vector<2048x1xf32> to vector<2048x128xf32>
    %mul3A_20 = arith.mulf %sub3A, %mul3A_19 : vector<2048x128xf32>
    %swap3A = arith.constant 0 : index
    %swap3A_21 = arith.constant 0 : index
    %swap3A_22 = vector.load %arg4[%swap3A, %swap3A_21] : memref<2048x128xf32, #tpu.memory_space<vmem>>, vector<2048x128xf32>
    tpu.vector_store %arg4[%swap3A, %swap3A_21], %mul3A_20 {strides = array<i32>} : memref<2048x128xf32, #tpu.memory_space<vmem>>, vector<2048x128xf32>,
    return
  }
  func.func @transform_0(%arg0: i32) -> (i32, i32) {
    %c0_i32 = arith.constant 0 : i32
    %c0_i32_0 = arith.constant 0 : i32
    return %c0_i32, %arg0 : i32, i32
  }
  func.func @transform_1(%arg0: i32) -> (i32, i32, i32) {
    %c0_i32 = arith.constant 0 : i32
    %c0_i32_0 = arith.constant 0 : i32
    %c0_i32_1 = arith.constant 0 : i32
    return %c0_i32, %arg0, %c0_i32_0 : i32, i32, i32
  }
  func.func @transform_2(%arg0: i32) -> (i32, i32) {
    %c0_i32 = arith.constant 0 : i32
    %c0_i32_0 = arith.constant 0 : i32
    return %arg0, %c0_i32 : i32, i32
  }
  func.func @transform_3(%arg0: i32) -> (i32, i32) {
    %c0_i32 = arith.constant 0 : i32
    %c0_i32_0 = arith.constant 0 : i32
    return %arg0, %c0_i32 : i32, i32
  }
}

module attributes {stable_mosaic.version = 14 : i64} {
  func.func @_final_body(%arg0: i32, %arg1: memref<32x2048xf32, #tpu.memory_space<vmem>>, %arg2: memref<2x2048x128xf32, #tpu.memory_space<vmem>>, %arg3: memref<2048x128xf32, #tpu.memory_space<vmem>>, %arg4: memref<128x128xf32, #tpu.memory_space<vmem>>, %arg5: memref<1x128xf32, #tpu.memory_space<vmem>>, %arg6: memref<2048x128xf32, #tpu.memory_space<vmem>>) attributes {dimension_semantics = [#tpu.dimension_semantics<arbitrary>], iteration_bounds = array<i64: 5>, scalar_prefetch = 0 : i64, scratch_operands = 0 : i64, tpu.core_type = #tpu.core_type<tc>, window_params = [{transform_indices = @transform_0, window_bounds = array<i64: 32, 2048>}, {transform_indices = @transform_1, window_bounds = array<i64: 2, 2048, 128>}, {transform_indices = @transform_2, window_bounds = array<i64: 2048, 128>}, {pipeline_mode = #tpu.pipeline_mode<synchronous>, transform_indices = @transform_3, window_bounds = array<i64: 128, 128>}, {pipeline_mode = #tpu.pipeline_mode<synchronous>, transform_indices = @transform_4, window_bounds = array<i64: 1, 128>}, {transform_indices = @transform_5, window_bounds = array<i64: 2048, 128>}]} {
    %get3A = arith.constant 0 : index
    %get3A_0 = arith.constant 0 : index
    %get3A_1 = vector.load %arg1[%get3A, %get3A_0] : memref<32x2048xf32, #tpu.memory_space<vmem>>, vector<32x2048xf32>
    %reduce_sum3A = arith.constant dense<0.000000e+00> : vector<2048xf32>
    %reduce_sum3A_2 = vector.multi_reduction <add>, %get3A_1, %reduce_sum3A [0] : vector<32x2048xf32> to vector<2048xf32>
    %add3A = arith.constant 1.000000e+00 : f32
    %add3A_3 = vector.broadcast %add3A : f32 to vector<2048xf32>
    %add3A_4 = arith.addf %reduce_sum3A_2, %add3A_3 : vector<2048xf32>
    %rsqrt3A = math.rsqrt %add3A_4 : vector<2048xf32>
    %get3A_5 = arith.constant 0 : index
    %get3A_6 = arith.constant 0 : index
    %get3A_7 = arith.constant 0 : index
    %get3A_8 = vector.load %arg2[%get3A_5, %get3A_6, %get3A_7] : memref<2x2048x128xf32, #tpu.memory_space<vmem>>, vector<1x2048x128xf32>
    %get3A_9 = vector.shape_cast %get3A_8 : vector<1x2048x128xf32> to vector<2048x128xf32>
    %get3A_10 = arith.constant 1 : index
    %get3A_11 = arith.constant 0 : index
    %get3A_12 = arith.constant 0 : index
    %get3A_13 = vector.load %arg2[%get3A_10, %get3A_11, %get3A_12] : memref<2x2048x128xf32, #tpu.memory_space<vmem>>, vector<1x2048x128xf32>
    %get3A_14 = vector.shape_cast %get3A_13 : vector<1x2048x128xf32> to vector<2048x128xf32>
    %add3A_15 = arith.addf %get3A_9, %get3A_14 : vector<2048x128xf32>
    %get3A_16 = arith.constant 0 : index
    %get3A_17 = arith.constant 0 : index
    %get3A_18 = vector.load %arg3[%get3A_16, %get3A_17] : memref<2048x128xf32, #tpu.memory_space<vmem>>, vector<2048x128xf32>
    %sub3A = arith.subf %add3A_15, %get3A_18 : vector<2048x128xf32>
    %broadcast_in_dim3A = vector.shape_cast %rsqrt3A : vector<2048xf32> to vector<2048x1xf32>
    %mul3A = vector.broadcast %broadcast_in_dim3A : vector<2048x1xf32> to vector<2048x128xf32>
    %mul3A_19 = arith.mulf %sub3A, %mul3A : vector<2048x128xf32>
    %get3A_20 = arith.constant 0 : index
    %get3A_21 = arith.constant 0 : index
    %get3A_22 = vector.load %arg4[%get3A_20, %get3A_21] : memref<128x128xf32, #tpu.memory_space<vmem>>, vector<128x128xf32>
    %dot_general3A = arith.constant dense<0.000000e+00> : vector<2048x128xf32>
    %dot_general3A_23 = tpu.matmul %mul3A_19, %get3A_22, %dot_general3A {dimension_numbers = #tpu.dot_dimension_numbers<[1], [1], [0], [0], [0, 0, 1, 0], [], []>, transpose_lhs_hint = false} : vector<2048x128xf32>, vector<128x128xf32>, vector<2048x128xf32> -> vector<2048x128xf32>
    %get3A_24 = arith.constant 0 : index
    %get3A_25 = arith.constant 0 : index
    %get3A_26 = vector.load %arg5[%get3A_24, %get3A_25] : memref<1x128xf32, #tpu.memory_space<vmem>>, vector<1x128xf32>
    %add3A_27 = vector.broadcast %get3A_26 : vector<1x128xf32> to vector<2048x128xf32>
    %add3A_28 = arith.addf %dot_general3A_23, %add3A_27 : vector<2048x128xf32>
    %swap3A = arith.constant 0 : index
    %swap3A_29 = arith.constant 0 : index
    %swap3A_30 = vector.load %arg6[%swap3A, %swap3A_29] : memref<2048x128xf32, #tpu.memory_space<vmem>>, vector<2048x128xf32>
    tpu.vector_store %arg6[%swap3A, %swap3A_29], %add3A_28 {strides = array<i32>} : memref<2048x128xf32, #tpu.memory_space<vmem>>, vector<2048x128xf32>,
    return
  }
  func.func @transform_0(%arg0: i32) -> (i32, i32) {
    %c0_i32 = arith.constant 0 : i32
    %c0_i32_0 = arith.constant 0 : i32
    return %c0_i32, %arg0 : i32, i32
  }
  func.func @transform_1(%arg0: i32) -> (i32, i32, i32) {
    %c0_i32 = arith.constant 0 : i32
    %c0_i32_0 = arith.constant 0 : i32
    %c0_i32_1 = arith.constant 0 : i32
    return %c0_i32, %arg0, %c0_i32_0 : i32, i32, i32
  }
  func.func @transform_2(%arg0: i32) -> (i32, i32) {
    %c0_i32 = arith.constant 0 : i32
    %c0_i32_0 = arith.constant 0 : i32
    return %arg0, %c0_i32 : i32, i32
  }
  func.func @transform_3(%arg0: i32) -> (i32, i32) {
    %c0_i32 = arith.constant 0 : i32
    %c0_i32_0 = arith.constant 0 : i32
    %c0_i32_1 = arith.constant 0 : i32
    return %c0_i32, %c0_i32_0 : i32, i32
  }
  func.func @transform_4(%arg0: i32) -> (i32, i32) {
    %c0_i32 = arith.constant 0 : i32
    %c0_i32_0 = arith.constant 0 : i32
    %c0_i32_1 = arith.constant 0 : i32
    return %c0_i32, %c0_i32_0 : i32, i32
  }
  func.func @transform_5(%arg0: i32) -> (i32, i32) {
    %c0_i32 = arith.constant 0 : i32
    %c0_i32_0 = arith.constant 0 : i32
    return %arg0, %c0_i32 : i32, i32
  }
}

</mosaic_0001>

<sc_bundles>
// kernel: kernel.11.cloned.1.call-start
scs
__scs_entry_jumppad:
0x0: {  	(pc) =	sbr.rel $0x88, $3  }
0x1: {  	(tag) =	ssettag $0x0;
	lr =	simm.s32 $0x1  }
0x2: {  	[smem:$0x3F9D] =	sst lr;
	_ =	strace $0xD0000000  }
0x3: {  	_ = 	snop  }
0x4: {  	_ = 	snop  }
0x5: {  	_ = 	snop  }
0x6: {  	_ = 	snop  }
0x7: {  	_ = 	snop  }
__scs_overlays_trampoline_lowered:
0x8: {  	[smem:$0x3FAC] =	sst s0  }
0x9: {  	[smem:$0x3FAD] =	sst s1  }
0xa: {  	[smem:$0x3FAE] =	sst s2  }
0xb: {  	[smem:$0x3FAF] =	sst s3  }
0xc: {  	[smem:$0x3FB0] =	sst s4  }
0xd: {  	[smem:$0x3FB1] =	sst s5  }
0xe: {  	[smem:$0x3FB2] =	sst s6  }
0xf: {  	[smem:$0x3FB3] =	sst s7  }
0x10: {  	[smem:$0x3FB4] =	sst s8  }
0x11: {  	[smem:$0x3FB5] =	sst s9;
	s0 =	simm.s32 @!p0 $0x0  }
0x12: {  	s1 =	sld [smem:$0x3F9B];
	s0 =	simm.s32 @p0 $0x1  }
0x13: {  	[smem:$0x3FB6] =	sst s0;
	s0 =	simm.s32 @!p1 $0x0  }
0x14: {  	s2 =	sld [smem:$0x3F9A];
	s0 =	simm.s32 @p1 $0x1  }
0x15: {  	[smem:$0x3FB7] =	sst s0;
	s0 =	simm.s32 @!p2 $0x0  }
0x16: {  	s3 =	sld [smem:$0x3FDB];
	s0 =	simm.s32 @p2 $0x1  }
0x17: {  	s4 =	simm.s32 $0x1BF5;
	[smem:$0x3FB9] =	sst s0  }
0x18: {  	s0 =	sld [smem:$0x3F9C];
	_ =	swait.ge [sflag:s4], $0x0  }
0x19: {  	s7 =	sld [smem:$0x3F9D]  }
0x1a: {  	s8 =	sadd.s32 $0xFFFFE003, lr  }
0x1b: {  	s9 =	sadd.s32 $0xFFFFFEF7, lr;
	s5 =	simm.s32 $0xFFFFFFFF;
	p2 =	slt.u32 s8, $0xFFFFF086  }
0x1c: {  	p1 =	slt.u32 s9, $0xF7A;
	s5 =	simm.s32 @!p2 $0x0  }
0x1d: {  	s5 =	simm.s32 @p1 $0x1;
	p0 =	seq.s32 s7, s2  }
0x1e: {  	s7 =	smul.u32 @!p0 $0xF7A, s2;
	p2 =	seq.s32 @!p0 s5, $0x0  }
0x1f: {  	s9 =	smul.u32 $0xF7A, s1;
	s8 =	simm.s32 @!p0 $0x1BF5;
	p2 =	por !p2, p0  }
0x20: {  	[sflag:s8] =	ssyncset.s32 @!p0 $0xFFFFF086;
	s6 =	sadd.s32 @!p0 s3, s7;
	s7 =	simm.s32 @!p0 $0x108  }
0x21: {  	s3 =	sadd.s32 s3, s9;
	s6 =	sadd.s32 @!p0 $0x88, s6;
	s7 =	simm.s32 @p2 $0x1082  }
0x22: {  	[simem:s7], [sflag:s8] =	dma.local @!p0 [hbm:s6], $0xF7A  }
0x23: {  	s9 =	sor.u32 $0xD0000000, s2;
	s6 =	simm.s32 $0x108;
	_ =	swait.ge @!p0 [sflag:s8], $0x0  }
0x24: {  	s3 =	sadd.s32 $0x88, s3;
	s6 =	simm.s32 @!p1 $0x1082;
	[sflag:s4] =	ssyncset.s32 $0xFFFFF086  }
0x25: {  	[simem:s6], [sflag:s4] =	dma.local [hbm:s3], $0xF7A  }
0x26: {  	[smem:$0x3F9D] =	sst s1;
	(tag) =	ssettag s2;
	_ =	strace s9  }
0x27: {  	s1 =	sld [smem:$0x3FAD]  }
0x28: {  	s2 =	sld [smem:$0x3FAE]  }
0x29: {  	s4 =	sld [smem:$0x3FB0]  }
0x2a: {  	p0 =	seq.s32 s5, $0x0;
	s5 =	sld [smem:$0x3FB1]  }
0x2b: {  	s6 =	sld [smem:$0x3FB2]  }
0x2c: {  	s7 =	sld [smem:$0x3FB3]  }
0x2d: {  	s3 =	simm.s32 $0x108;
	s8 =	sld [smem:$0x3FB4]  }
0x2e: {  	s3 =	simm.s32 @!p0 $0x1082;
	s9 =	sld [smem:$0x3FB5]  }
0x2f: {  	lr =	sadd.s32 s0, s3;
	s0 =	sld [smem:$0x3FAC]  }
0x30: {  	s3 =	sld [smem:$0x3FAF]  }
0x31: {  	[smem:$0x3FB8] =	sst s10  }
0x32: {  	s10 =	sld [smem:$0x3FB6];
	_ =	sdelay $0x3  }
0x33: {  	p0 =	seq.s32 s10, $0x1;
	s10 =	sld [smem:$0x3FB8];
	_ =	sdelay $0x3  }
0x34: {  	[smem:$0x3FB8] =	sst s10  }
0x35: {  	s10 =	sld [smem:$0x3FB7];
	_ =	sdelay $0x3  }
0x36: {  	p1 =	seq.s32 s10, $0x1;
	s10 =	sld [smem:$0x3FB8];
	_ =	sdelay $0x3  }
0x37: {  	[smem:$0x3FB8] =	sst s10  }
0x38: {  	s10 =	sld [smem:$0x3FB9]  }
0x39: {  	_ = 	snop;
	(pc) =	sbr.ind lr, $3  }
0x3a: {  	_ = 	snop  }
0x3b: {  	_ = 	snop  }
0x3c: {  	p2 =	seq.s32 s10, $0x1;
	s10 =	sld [smem:$0x3FB8]  }
0x3d: {  	_ =	shalt  }
0x3e: {  	_ =	shalt  }
0x3f: {  	_ =	shalt  }
0x40: {  	_ =	shalt  }
0x41: {  	_ =	shalt  }
0x42: {  	_ =	shalt  }
0x43: {  	_ =	shalt  }
0x44: {  	_ =	shalt  }
0x45: {  	_ =	shalt  }
0x46: {  	_ =	shalt  }
0x47: {  	_ =	shalt  }
0x48: {  	_ =	shalt  }
0x49: {  	_ =	shalt  }
0x4a: {  	_ =	shalt  }
0x4b: {  	_ =	shalt  }
0x4c: {  	_ =	shalt  }
0x4d: {  	_ =	shalt  }
0x4e: {  	_ =	shalt  }
0x4f: {  	_ =	shalt  }
0x50: {  	_ =	shalt  }
0x51: {  	_ =	shalt  }
0x52: {  	_ =	shalt  }
0x53: {  	_ =	shalt  }
0x54: {  	_ =	shalt  }
0x55: {  	_ =	shalt  }
0x56: {  	_ =	shalt  }
0x57: {  	_ =	shalt  }
0x58: {  	_ =	shalt  }
0x59: {  	_ =	shalt  }
0x5a: {  	_ =	shalt  }
0x5b: {  	_ =	shalt  }
0x5c: {  	_ =	shalt  }
0x5d: {  	_ =	shalt  }
0x5e: {  	_ =	shalt  }
0x5f: {  	_ =	shalt  }
0x60: {  	_ =	shalt  }
0x61: {  	_ =	shalt  }
0x62: {  	_ =	shalt  }
0x63: {  	_ =	shalt  }
0x64: {  	_ =	shalt  }
0x65: {  	_ =	shalt  }
0x66: {  	_ =	shalt  }
0x67: {  	_ =	shalt  }
0x68: {  	_ =	shalt  }
0x69: {  	_ =	shalt  }
0x6a: {  	_ =	shalt  }
0x6b: {  	_ =	shalt  }
0x6c: {  	_ =	shalt  }
0x6d: {  	_ =	shalt  }
0x6e: {  	_ =	shalt  }
0x6f: {  	_ =	shalt  }
0x70: {  	_ =	shalt  }
0x71: {  	_ =	shalt  }
0x72: {  	_ =	shalt  }
0x73: {  	_ =	shalt  }
0x74: {  	_ =	shalt  }
0x75: {  	_ =	shalt  }
0x76: {  	_ =	shalt  }
0x77: {  	_ =	shalt  }
0x78: {  	_ =	shalt  }
0x79: {  	_ =	shalt  }
0x7a: {  	_ =	shalt  }
0x7b: {  	_ =	shalt  }
0x7c: {  	_ =	shalt  }
0x7d: {  	_ =	shalt  }
0x7e: {  	_ =	shalt  }
0x7f: {  	_ =	shalt  }
0x80: {  	_ =	shalt  }
0x81: {  	_ =	shalt  }
0x82: {  	_ =	shalt  }
0x83: {  	_ =	shalt  }
0x84: {  	_ =	shalt  }
0x85: {  	_ =	shalt  }
0x86: {  	_ =	shalt  }
0x87: {  	_ =	shalt  }
.Lfunc_end0:
.L_simem_size_0:
called_computation.1_lowered:
.L_overlay_start_0:
0x88: {  	s2 =	sld [smem:$0x3FD9]  }
0x89: {  	s3 =	sld [smem:$0x3FFE];
	_ =	sdelay $0x1  }
0x8a: {  	s1 =	srdreg.scid  }
0x8b: {  	s0 =	sand.u32 $0x1, s1  }
0x8c: {  	s17 =	sshll.u32 s0, $0xA;
	s2 =	sadd.s32 s3, s2  }
0x8d: {  	s2 =	sadd.s32 s2, s17  }
0x8e: {  	[smem:$0x3FC4] =	sst s2  }
0x8f: {  	_ = 	snop  }
0x90: {  	s2 =	sld [smem:$0x3FD0];
	(tm) =	ssettm $0x1  }
0x91: {  	s18 =	sld [smem:$0x3FFB];
	_ =	sdelay $0x3  }
0x92: {  	_ =	strace s18  }
0x93: {  	s3 =	sld [smem:$0x3FFC];
	_ =	sdelay $0x3  }
0x94: {  	_ =	strace s3  }
0x95: {  	s3 =	sld [smem:$0x3FFD];
	_ =	sdelay $0x3  }
0x96: {  	_ =	strace s3  }
0x97: {  	_ =	strace $0x8FFFFFFF  }
0x98: {  	s19 =	sld [smem:$0x3FDB];
	_ =	sdelay $0x1  }
0x99: {  	s4 =	simm.s32 $_scs_section_size  }
0x9a: {  	s5 =	simm.s32 $_size__tile_overlayer_lowered;
	s6 =	simm.s32 $_tile_overlayer_lowered  }
0x9b: {  	s22 =	simm.s32 $0x1BFF;
	s21 =	sshll.u32 s6, $0x1;
	s3 =	sadd.s32 s4, s19  }
0x9c: {  	s7 =	simm.s32 $0x0;
	s20 =	sshll.u32 s5, $0x1;
	s5 =	sadd.s32 s21, s3  }
0x9d: {  	[timem:s7], [sflag:s22] =	dma.local [hbm:s5], s20  }
0x9e: {  	_ =	swait.ge [sflag:s22], s20  }
0x9f: {  	s4 =	ssub.s32 $0x0, s20;
	[sflag:s22] =	ssyncset.done $0x0  }
0xa0: {  	[sflag:s22] =	ssyncadd.s32 s4;
	_ =	sdelay $0x1  }
0xa1: {  	s23 =	simm.s32 $0x1B8B  }
0xa2: {  	_ =	swait.ge [sflag:s23], $0x1  }
0xa3: {  	[sflag:s23] =	ssyncset.done $0x0  }
0xa4: {  	s25 =	simm.s32 $0x1B8E;
	s24 =	sld [smem:$0x3FFE];
	[sflag:s23] =	ssyncadd.s32 $0xFFFFFFFF  }
0xa5: {  	s26 =	simm.s32 $execute0_lowered;
	[smem:$0x3FD2] =	sst s25  }
0xa6: {  	s5 =	sshll.u32 s26, $0x1;
	_ =	strace $0x80000049;
	[dreg:$0x1] =	wrdreg $0xFFFFFFFF  }
0xa7: {  	s28 =	simm.s32 $_size_execute0_lowered;
	s3 =	sadd.s32 s3, s5;
	[dreg:$0x0] =	wrdreg $0x0  }
0xa8: {  	s5 =	sshll.u32 s28, $0x1;
	[dreg:$0x2] =	wrdreg s3  }
0xa9: {  	[dreg:$0x3] =	wrdreg s5  }
0xaa: {  	[dreg:$0x4] =	wrdreg $0xC0  }
0xab: {  	_ =	task [dreg:s7], $0x5FFFF  }
0xac: {  	[dreg:$0x1] =	wrdreg $0xFFFFFFFF  }
0xad: {  	[dreg:$0x0] =	wrdreg $0x60  }
0xae: {  	[dreg:$0x2] =	wrdreg s24  }
0xaf: {  	[dreg:$0x3] =	wrdreg s2  }
0xb0: {  	[dreg:$0x4] =	wrdreg $0x0  }
0xb1: {  	[dreg:$0x5] =	wrdreg $0x9  }
0xb2: {  	_ =	task.clear_ibuf [dreg:s7], $0x6FFFF;
	_ =	strace $0x90000049  }
0xb3: {  	s29 =	simm.s32 $0x9;
	_ =	strace $0x8000004B  }
0xb4: {  	_ =	swait.ge [sflag:s29], $0x1  }
0xb5: {  	[sflag:s29] =	ssyncadd.s32 $0xFFFFFFFF  }
0xb6: {  	_ =	strace $0x9000004B  }
0xb7: {  	_ =	sfence  }
0xb8: {  	s30 =	sld [smem:$0x0];
	_ =	sdelay $0x2  }
0xb9: {  	s31 =	sshll.u32 s1, $0xD;
	s1 =	sshrl.u32 s1, $0x2  }
0xba: {  	s3 =	sand.u32 $0x4000, s31;
	s1 =	sadd.s32 s1, s30  }
0xbb: {  	s0 =	sor.u32 s3, s0;
	s1 =	sshll.u32 s1, $0x11  }
0xbc: {  	s0 =	sor.u32 s1, s0  }
0xbd: {  	s0 =	sadd.s32 $0x8F2B, s0  }
0xbe: {  	[sflag:s0] =	ssyncadd.remote.s32 $0x1  }
0xbf: {  	_ =	sfence.sel $0xFFFF  }
0xc0: {  	[dreg:$0x0] =	wrdreg $0xFFFFFFFF;
	(pc) =	sbr.abs _section_cstart, $3  }
0xc1: {  	[dreg:$0x1] =	wrdreg $0xFFFFFFFF  }
0xc2: {  	_ =	task.clear_ibuf [dreg:s7], $0x2FFFF;
	_ =	strace $0x9FFFFFFF  }
0xc3: {  	(tm) =	ssettm $0x7FFFFFFF  }
tec
execute0_lowered:
.L_overlay_start_1:
0x0: {  	(tag) =	ssettag $0x1  }
0x1: {  	s5 =	rddreg [dreg:$0x0];
	s1 =	srdreg.scid  }
0x2: {  	s0 =	stileid.u32;
	s7 =	rddreg [dreg:$0x1]  }
0x3: {  	s2 =	rddreg [dreg:$0x2];
	s3 =	simm.s32 $0x0;
	s13 =	simm.s32 $0x16800  }
0x4: {  	s14 =	simm.s32 $0x80;
	s15 =	simm.s32 $0x19000;
	s16 =	simm.s32 $0x1  }
0x5: {  	s6 =	sand.u32 $0x1, s1;
	s1 =	rddreg [dreg:$0x3];
	s10 =	smul.u32 $0x50000, s0  }
0x6: {  	s29 =	sshll.u32 s0, $0x1;
	[smem:$0x7FF] =	sst s3;
	s17 =	smul.u32 $0x2800, s0  }
0x7: {  	s31 =	sshll.u32 s0, $0x6;
	s4 =	sor.u32 s6, s29;
	s9 =	smul.u32 $0x28000, s6  }
0x8: {  	_ =	strace $0x8000004A;
	s30 =	ssub.s32 $0x2, s6;
	s8 =	smul.u32 $0x500, s4  }
0x9: {  	s4 =	sadd.s32 $0x1FC00, s5;
	s6 =	sshrl.u32 s30, $0x1;
	s10 =	sshrl.u32 s10, $0x2  }
0xa: {  	s9 =	sadd.s32 s9, s5;
	s12 =	ssub.s32 s30, s6;
	s10 =	sadd.s32 s10, s2  }
0xb: {  	s6 =	sor.u32 $0x1C02, s31;
	s11 =	sadd.s32 s8, s5;
	s5 =	sadd.s32 s4, s17  }
0xc: {  	s7 =	sadd.s32 s7, s8;
	s18 =	sadd.s32 $0x47C00, s9;
	s9 =	smax.u32 s12, $0x1  }
0xd: {  	s10 =	sshrl.u32 s10, $0x3;
	s12 =	simm.s32 $0x14000;
	s8 =	sadd.s32 $0x15C00, s11  }
0xe: {  	s11 =	simm.s32 $0x2;
	s17 =	sadd.s32 s17, s18;
	s18 =	simm.s32 $0x0  }
.LBB2_1:
0xf: {  	[spmem:s10], [sflag:s6] =	dma.local [hbm:s5], $0x2800  }
0x10: {  	_ =	swait.ge [sflag:s11], $0x2800  }
0x11: {  	[sflag:s11] =	ssyncset.done $0x0  }
0x12: {  	[sflag:s11] =	ssyncadd.s32 $0xFFFFD800  }
0x13: {  	[tilespmem:s12], [sflag:$0x2] =	stream.linear.gather [hbm4b:s7+s3], $0x2780, $0x38;
	[tilespmem:$0x1D000] =	vst v63  }
0x14: {  	_ =	swait.ge [sflag:s11], $0x2780  }
0x15: {  	[sflag:s11] =	ssyncset.done $0x0  }
0x16: {  	[sflag:s11] =	ssyncadd.s32 $0xFFFFD880  }
0x17: {  	[tilespmem:s13], [sflag:$0x2] =	stream.linear.gather [hbm4b:s8+s3], $0x2780, $0x38;
	[tilespmem:$0x1D000] =	vst v63  }
0x18: {  	_ =	swait.ge [sflag:s11], $0x2780  }
0x19: {  	[sflag:s11] =	ssyncset.done $0x0  }
0x1a: {  	[sflag:s11] =	ssyncadd.s32 $0xFFFFD880  }
0x1b: {  	s19 =	simm.s32 $0x16800;
	[bflag:$0x0] =	sbarrier.arrive $0xFFFF  }
0x1c: {  	[tilespmem:s15], [sflag:$0x1] =	stream.indirect.gather [hbm4b:s4+s14], $0x80, s19, s14, $0xb8;
	[tilespmem:$0x1D000] =	vst v63  }
0x1d: {  	_ =	swait.ge [sflag:s16], $0x4000  }
0x1e: {  	[sflag:s16] =	ssyncset.done $0x0  }
0x1f: {  	s31 =	simm.s32 $0x14000;
	[sflag:s16] =	ssyncadd.s32 $0xFFFFC000  }
0x20: {  	[spmem:s2] =	stream.indirect.scatter.add.f32 [tilespmem:s15], [sflag:$0x2], $0x80, s31, s14, $0xb8;
	[tilespmem:$0x1D000] =	vst v63  }
0x21: {  	_ =	swait.ge [sflag:s11], $0x4000  }
0x22: {  	s20 =	simm.s32 $0x400;
	s19 =	simm.s32 $0x80;
	[sflag:s11] =	ssyncset.done $0x0  }
.LBB2_2:
0x23: {  	s21 =	sadd.s32 $0x16800, s19  }
0x24: {  	[sflag:s11] =	ssyncadd.s32 $0xFFFFC000;
	s22 =	smov.u32 s20;
	s23 =	sadd.s32 $0x200, s20  }
0x25: {  	[tilespmem:s15], [sflag:$0x1] =	stream.indirect.gather [hbm4b:s4+s14], $0x80, s21, s14, $0xb8;
	[tilespmem:$0x1D000] =	vst v63  }
0x26: {  	p0 =	sne.s32 s20, $0x9C00;
	_ =	swait.ge [sflag:s16], $0x4000  }
.Ltmp0:
0x27: {  	[sflag:s16] =	ssyncset.done $0x0;
	(pc) =	sbr.rel @p0 .LBB2_2-.Ltmp0, $4  }
0x28: {  	s19 =	sadd.s32 $0x14000, s19;
	[sflag:s16] =	ssyncadd.s32 $0xFFFFC000  }
0x29: {  	[spmem:s2] =	stream.indirect.scatter.add.f32 [tilespmem:s15], [sflag:$0x2], $0x80, s19, s14, $0xb8;
	[tilespmem:$0x1D000] =	vst v63  }
0x2a: {  	_ =	swait.ge [sflag:s11], $0x4000  }
0x2b: {  	s20 =	smov.u32 s23;
	s19 =	sshra.s32 s22, $0x2;
	[sflag:s11] =	ssyncset.done $0x0  }
0x2c: {  	s20 =	sadd.s32 $0x16800, s19;
	[sflag:s11] =	ssyncadd.s32 $0xFFFFC000  }
0x2d: {  	[tilespmem:s15], [sflag:$0x1] =	stream.indirect.gather [hbm4b:s4+s14], $0x80, s20, s14, $0xb8;
	[tilespmem:$0x1D000] =	vst v63  }
0x2e: {  	_ =	swait.ge [sflag:s16], $0x4000  }
0x2f: {  	[sflag:s16] =	ssyncset.done $0x0  }
0x30: {  	s31 =	sadd.s32 $0x14000, s19;
	[sflag:s16] =	ssyncadd.s32 $0xFFFFC000  }
0x31: {  	[spmem:s2] =	stream.indirect.scatter.add.f32 [tilespmem:s15], [sflag:$0x2], $0x80, s31, s14, $0xb8;
	[tilespmem:$0x1D000] =	vst v63  }
0x32: {  	_ =	swait.ge [sflag:s11], $0x4000  }
0x33: {  	s18 =	sadd.s32 $0x1, s18;
	[sflag:s11] =	ssyncset.done $0x0  }
0x34: {  	p0 =	sne.s32 s18, s9;
	[sflag:s11] =	ssyncadd.s32 $0xFFFFC000  }
.Ltmp1:
0x35: {  	[bflag:$0x0] =	sbarrier.arrive $0xFFFF;
	(pc) =	sbr.rel @p0 .LBB2_1-.Ltmp1, $4  }
0x36: {  	[hbm:s17], [sflag:s6] =	dma.local [spmem:s10], $0x2800  }
0x37: {  	_ =	swait.ge [sflag:s11], $0x2800  }
0x38: {  	[sflag:s11] =	ssyncset.done $0x0  }
0x39: {  	[sflag:s11] =	ssyncadd.s32 $0xFFFFD800  }
0x3a: {  	_ =	sfence.sel $0x180000  }
0x3b: {  	[bflag:$0x0] =	sbarrier.arrive $0xFFFF  }
0x3c: {  	p0 =	sne.s32 s0, $0x0;
	_ =	strace $0x9000004A  }
0x3d: {  	s0 =	sadd.s32 @!p0 $0x100000, s1;
	[bflag:$0x2] =	sbarrier.arrive $0xFFFF  }
0x3e: {  	[sflag:s0] =	ssyncadd.tile.s32 @!p0 $0x1;
	_ =	shalt  }
.Lfunc_end2:
_tile_overlayer_lowered:
.L_overlay_start_2:
0x3f: {  	(tag) =	ssettag $0x2  }
0x40: {  	s0 =	rddreg [dreg:$0x0];
	s2 =	stileid.u32  }
0x41: {  	s1 =	rddreg [dreg:$0x1];
	p0 =	sne.s32 s2, $0x0  }
0x42: {  	s3 =	rddreg [dreg:$0x2];
	[bflag:$0x3] =	sbarrier.arrive $0xFFFF;
	s2 =	simm.s32 @!p0 $0x1C02  }
0x43: {  	[timem:s3], [sflag:s2] =	dma.local @!p0 [hbm:s0], s1  }
0x44: {  	s0 =	simm.s32 @!p0 $0x2  }
0x45: {  	_ =	swait.ge @!p0 [sflag:s0], s1  }
0x46: {  	s1 =	ssub.s32 @!p0 $0x0, s1;
	[sflag:s0] =	ssyncset.done @!p0 $0x0  }
0x47: {  	[sflag:s0] =	ssyncadd.s32 @!p0 s1  }
0x48: {  	[bflag:$0x3] =	sbarrier.arrive $0xFFFF  }
0x49: {  	_ =	shalt  }

// kernel: kernel.14.cloned.1.call-start
scs
__scs_entry_jumppad:
0x0: {  	(pc) =	sbr.rel $0x88, $3  }
0x1: {  	(tag) =	ssettag $0x0;
	lr =	simm.s32 $0x1  }
0x2: {  	[smem:$0x3F9D] =	sst lr;
	_ =	strace $0xD0000000  }
0x3: {  	_ = 	snop  }
0x4: {  	_ = 	snop  }
0x5: {  	_ = 	snop  }
0x6: {  	_ = 	snop  }
0x7: {  	_ = 	snop  }
__scs_overlays_trampoline_lowered:
0x8: {  	[smem:$0x3FAC] =	sst s0  }
0x9: {  	[smem:$0x3FAD] =	sst s1  }
0xa: {  	[smem:$0x3FAE] =	sst s2  }
0xb: {  	[smem:$0x3FAF] =	sst s3  }
0xc: {  	[smem:$0x3FB0] =	sst s4  }
0xd: {  	[smem:$0x3FB1] =	sst s5  }
0xe: {  	[smem:$0x3FB2] =	sst s6  }
0xf: {  	[smem:$0x3FB3] =	sst s7  }
0x10: {  	[smem:$0x3FB4] =	sst s8  }
0x11: {  	[smem:$0x3FB5] =	sst s9;
	s0 =	simm.s32 @!p0 $0x0  }
0x12: {  	s1 =	sld [smem:$0x3F9B];
	s0 =	simm.s32 @p0 $0x1  }
0x13: {  	[smem:$0x3FB6] =	sst s0;
	s0 =	simm.s32 @!p1 $0x0  }
0x14: {  	s2 =	sld [smem:$0x3F9A];
	s0 =	simm.s32 @p1 $0x1  }
0x15: {  	[smem:$0x3FB7] =	sst s0;
	s0 =	simm.s32 @!p2 $0x0  }
0x16: {  	s3 =	sld [smem:$0x3FDB];
	s0 =	simm.s32 @p2 $0x1  }
0x17: {  	s4 =	simm.s32 $0x1BF5;
	[smem:$0x3FB9] =	sst s0  }
0x18: {  	s0 =	sld [smem:$0x3F9C];
	_ =	swait.ge [sflag:s4], $0x0  }
0x19: {  	s7 =	sld [smem:$0x3F9D]  }
0x1a: {  	s8 =	sadd.s32 $0xFFFFE003, lr  }
0x1b: {  	s9 =	sadd.s32 $0xFFFFFEF7, lr;
	s5 =	simm.s32 $0xFFFFFFFF;
	p2 =	slt.u32 s8, $0xFFFFF086  }
0x1c: {  	p1 =	slt.u32 s9, $0xF7A;
	s5 =	simm.s32 @!p2 $0x0  }
0x1d: {  	s5 =	simm.s32 @p1 $0x1;
	p0 =	seq.s32 s7, s2  }
0x1e: {  	s7 =	smul.u32 @!p0 $0xF7A, s2;
	p2 =	seq.s32 @!p0 s5, $0x0  }
0x1f: {  	s9 =	smul.u32 $0xF7A, s1;
	s8 =	simm.s32 @!p0 $0x1BF5;
	p2 =	por !p2, p0  }
0x20: {  	[sflag:s8] =	ssyncset.s32 @!p0 $0xFFFFF086;
	s6 =	sadd.s32 @!p0 s3, s7;
	s7 =	simm.s32 @!p0 $0x108  }
0x21: {  	s3 =	sadd.s32 s3, s9;
	s6 =	sadd.s32 @!p0 $0x88, s6;
	s7 =	simm.s32 @p2 $0x1082  }
0x22: {  	[simem:s7], [sflag:s8] =	dma.local @!p0 [hbm:s6], $0xF7A  }
0x23: {  	s9 =	sor.u32 $0xD0000000, s2;
	s6 =	simm.s32 $0x108;
	_ =	swait.ge @!p0 [sflag:s8], $0x0  }
0x24: {  	s3 =	sadd.s32 $0x88, s3;
	s6 =	simm.s32 @!p1 $0x1082;
	[sflag:s4] =	ssyncset.s32 $0xFFFFF086  }
0x25: {  	[simem:s6], [sflag:s4] =	dma.local [hbm:s3], $0xF7A  }
0x26: {  	[smem:$0x3F9D] =	sst s1;
	(tag) =	ssettag s2;
	_ =	strace s9  }
0x27: {  	s1 =	sld [smem:$0x3FAD]  }
0x28: {  	s2 =	sld [smem:$0x3FAE]  }
0x29: {  	s4 =	sld [smem:$0x3FB0]  }
0x2a: {  	p0 =	seq.s32 s5, $0x0;
	s5 =	sld [smem:$0x3FB1]  }
0x2b: {  	s6 =	sld [smem:$0x3FB2]  }
0x2c: {  	s7 =	sld [smem:$0x3FB3]  }
0x2d: {  	s3 =	simm.s32 $0x108;
	s8 =	sld [smem:$0x3FB4]  }
0x2e: {  	s3 =	simm.s32 @!p0 $0x1082;
	s9 =	sld [smem:$0x3FB5]  }
0x2f: {  	lr =	sadd.s32 s0, s3;
	s0 =	sld [smem:$0x3FAC]  }
0x30: {  	s3 =	sld [smem:$0x3FAF]  }
0x31: {  	[smem:$0x3FB8] =	sst s10  }
0x32: {  	s10 =	sld [smem:$0x3FB6];
	_ =	sdelay $0x3  }
0x33: {  	p0 =	seq.s32 s10, $0x1;
	s10 =	sld [smem:$0x3FB8];
	_ =	sdelay $0x3  }
0x34: {  	[smem:$0x3FB8] =	sst s10  }
0x35: {  	s10 =	sld [smem:$0x3FB7];
	_ =	sdelay $0x3  }
0x36: {  	p1 =	seq.s32 s10, $0x1;
	s10 =	sld [smem:$0x3FB8];
	_ =	sdelay $0x3  }
0x37: {  	[smem:$0x3FB8] =	sst s10  }
0x38: {  	s10 =	sld [smem:$0x3FB9]  }
0x39: {  	_ = 	snop;
	(pc) =	sbr.ind lr, $3  }
0x3a: {  	_ = 	snop  }
0x3b: {  	_ = 	snop  }
0x3c: {  	p2 =	seq.s32 s10, $0x1;
	s10 =	sld [smem:$0x3FB8]  }
0x3d: {  	_ =	shalt  }
0x3e: {  	_ =	shalt  }
0x3f: {  	_ =	shalt  }
0x40: {  	_ =	shalt  }
0x41: {  	_ =	shalt  }
0x42: {  	_ =	shalt  }
0x43: {  	_ =	shalt  }
0x44: {  	_ =	shalt  }
0x45: {  	_ =	shalt  }
0x46: {  	_ =	shalt  }
0x47: {  	_ =	shalt  }
0x48: {  	_ =	shalt  }
0x49: {  	_ =	shalt  }
0x4a: {  	_ =	shalt  }
0x4b: {  	_ =	shalt  }
0x4c: {  	_ =	shalt  }
0x4d: {  	_ =	shalt  }
0x4e: {  	_ =	shalt  }
0x4f: {  	_ =	shalt  }
0x50: {  	_ =	shalt  }
0x51: {  	_ =	shalt  }
0x52: {  	_ =	shalt  }
0x53: {  	_ =	shalt  }
0x54: {  	_ =	shalt  }
0x55: {  	_ =	shalt  }
0x56: {  	_ =	shalt  }
0x57: {  	_ =	shalt  }
0x58: {  	_ =	shalt  }
0x59: {  	_ =	shalt  }
0x5a: {  	_ =	shalt  }
0x5b: {  	_ =	shalt  }
0x5c: {  	_ =	shalt  }
0x5d: {  	_ =	shalt  }
0x5e: {  	_ =	shalt  }
0x5f: {  	_ =	shalt  }
0x60: {  	_ =	shalt  }
0x61: {  	_ =	shalt  }
0x62: {  	_ =	shalt  }
0x63: {  	_ =	shalt  }
0x64: {  	_ =	shalt  }
0x65: {  	_ =	shalt  }
0x66: {  	_ =	shalt  }
0x67: {  	_ =	shalt  }
0x68: {  	_ =	shalt  }
0x69: {  	_ =	shalt  }
0x6a: {  	_ =	shalt  }
0x6b: {  	_ =	shalt  }
0x6c: {  	_ =	shalt  }
0x6d: {  	_ =	shalt  }
0x6e: {  	_ =	shalt  }
0x6f: {  	_ =	shalt  }
0x70: {  	_ =	shalt  }
0x71: {  	_ =	shalt  }
0x72: {  	_ =	shalt  }
0x73: {  	_ =	shalt  }
0x74: {  	_ =	shalt  }
0x75: {  	_ =	shalt  }
0x76: {  	_ =	shalt  }
0x77: {  	_ =	shalt  }
0x78: {  	_ =	shalt  }
0x79: {  	_ =	shalt  }
0x7a: {  	_ =	shalt  }
0x7b: {  	_ =	shalt  }
0x7c: {  	_ =	shalt  }
0x7d: {  	_ =	shalt  }
0x7e: {  	_ =	shalt  }
0x7f: {  	_ =	shalt  }
0x80: {  	_ =	shalt  }
0x81: {  	_ =	shalt  }
0x82: {  	_ =	shalt  }
0x83: {  	_ =	shalt  }
0x84: {  	_ =	shalt  }
0x85: {  	_ =	shalt  }
0x86: {  	_ =	shalt  }
0x87: {  	_ =	shalt  }
.Lfunc_end0:
.L_simem_size_0:
called_computation.2_lowered:
.L_overlay_start_0:
0x88: {  	s2 =	sld [smem:$0x3FD9]  }
0x89: {  	s3 =	sld [smem:$0x3FFE];
	_ =	sdelay $0x1  }
0x8a: {  	s1 =	srdreg.scid  }
0x8b: {  	s0 =	sand.u32 $0x1, s1  }
0x8c: {  	s17 =	sshll.u32 s0, $0xA;
	s2 =	sadd.s32 s3, s2  }
0x8d: {  	s2 =	sadd.s32 s2, s17  }
0x8e: {  	[smem:$0x3FC4] =	sst s2  }
0x8f: {  	_ = 	snop  }
0x90: {  	s2 =	sld [smem:$0x3FD0];
	(tm) =	ssettm $0x1  }
0x91: {  	s18 =	sld [smem:$0x3FFB];
	_ =	sdelay $0x3  }
0x92: {  	_ =	strace s18  }
0x93: {  	s3 =	sld [smem:$0x3FFC];
	_ =	sdelay $0x3  }
0x94: {  	_ =	strace s3  }
0x95: {  	s3 =	sld [smem:$0x3FFD];
	_ =	sdelay $0x3  }
0x96: {  	_ =	strace s3  }
0x97: {  	_ =	strace $0x8FFFFFFF  }
0x98: {  	s19 =	sld [smem:$0x3FDB];
	_ =	sdelay $0x1  }
0x99: {  	s4 =	simm.s32 $_scs_section_size  }
0x9a: {  	s5 =	simm.s32 $_size__tile_overlayer_lowered;
	s6 =	simm.s32 $_tile_overlayer_lowered  }
0x9b: {  	s22 =	simm.s32 $0x1BFF;
	s21 =	sshll.u32 s6, $0x1;
	s3 =	sadd.s32 s4, s19  }
0x9c: {  	s7 =	simm.s32 $0x0;
	s20 =	sshll.u32 s5, $0x1;
	s5 =	sadd.s32 s21, s3  }
0x9d: {  	[timem:s7], [sflag:s22] =	dma.local [hbm:s5], s20  }
0x9e: {  	_ =	swait.ge [sflag:s22], s20  }
0x9f: {  	s4 =	ssub.s32 $0x0, s20;
	[sflag:s22] =	ssyncset.done $0x0  }
0xa0: {  	[sflag:s22] =	ssyncadd.s32 s4;
	_ =	sdelay $0x1  }
0xa1: {  	s23 =	simm.s32 $0x1B8B  }
0xa2: {  	_ =	swait.ge [sflag:s23], $0x1  }
0xa3: {  	[sflag:s23] =	ssyncset.done $0x0  }
0xa4: {  	s25 =	simm.s32 $0x1B8E;
	s24 =	sld [smem:$0x3FFE];
	[sflag:s23] =	ssyncadd.s32 $0xFFFFFFFF  }
0xa5: {  	s26 =	simm.s32 $execute0_lowered;
	[smem:$0x3FD2] =	sst s25  }
0xa6: {  	s5 =	sshll.u32 s26, $0x1;
	_ =	strace $0x8000004C;
	[dreg:$0x1] =	wrdreg $0xFFFFFFFF  }
0xa7: {  	s28 =	simm.s32 $_size_execute0_lowered;
	s3 =	sadd.s32 s3, s5;
	[dreg:$0x0] =	wrdreg $0x0  }
0xa8: {  	s5 =	sshll.u32 s28, $0x1;
	[dreg:$0x2] =	wrdreg s3  }
0xa9: {  	[dreg:$0x3] =	wrdreg s5  }
0xaa: {  	[dreg:$0x4] =	wrdreg $0xC0  }
0xab: {  	_ =	task [dreg:s7], $0x5FFFF  }
0xac: {  	[dreg:$0x1] =	wrdreg $0xFFFFFFFF  }
0xad: {  	[dreg:$0x0] =	wrdreg $0x60  }
0xae: {  	[dreg:$0x2] =	wrdreg s24  }
0xaf: {  	[dreg:$0x3] =	wrdreg s2  }
0xb0: {  	[dreg:$0x4] =	wrdreg $0x0  }
0xb1: {  	[dreg:$0x5] =	wrdreg $0x9  }
0xb2: {  	_ =	task.clear_ibuf [dreg:s7], $0x6FFFF;
	_ =	strace $0x9000004C  }
0xb3: {  	s29 =	simm.s32 $0x9;
	_ =	strace $0x8000004E  }
0xb4: {  	_ =	swait.ge [sflag:s29], $0x1  }
0xb5: {  	[sflag:s29] =	ssyncadd.s32 $0xFFFFFFFF  }
0xb6: {  	_ =	strace $0x9000004E  }
0xb7: {  	_ =	sfence  }
0xb8: {  	s30 =	sld [smem:$0x0];
	_ =	sdelay $0x2  }
0xb9: {  	s31 =	sshll.u32 s1, $0xD;
	s1 =	sshrl.u32 s1, $0x2  }
0xba: {  	s3 =	sand.u32 $0x4000, s31;
	s1 =	sadd.s32 s1, s30  }
0xbb: {  	s0 =	sor.u32 s3, s0;
	s1 =	sshll.u32 s1, $0x11  }
0xbc: {  	s0 =	sor.u32 s1, s0  }
0xbd: {  	s0 =	sadd.s32 $0x8F2B, s0  }
0xbe: {  	[sflag:s0] =	ssyncadd.remote.s32 $0x1  }
0xbf: {  	_ =	sfence.sel $0xFFFF  }
0xc0: {  	[dreg:$0x0] =	wrdreg $0xFFFFFFFF;
	(pc) =	sbr.abs _section_cstart, $3  }
0xc1: {  	[dreg:$0x1] =	wrdreg $0xFFFFFFFF  }
0xc2: {  	_ =	task.clear_ibuf [dreg:s7], $0x2FFFF;
	_ =	strace $0x9FFFFFFF  }
0xc3: {  	(tm) =	ssettm $0x7FFFFFFF  }
tec
execute0_lowered:
.L_overlay_start_1:
0x0: {  	(tag) =	ssettag $0x1  }
0x1: {  	s5 =	rddreg [dreg:$0x0];
	s1 =	srdreg.scid  }
0x2: {  	s0 =	stileid.u32;
	s7 =	rddreg [dreg:$0x1]  }
0x3: {  	s2 =	rddreg [dreg:$0x2];
	s3 =	simm.s32 $0x0;
	s13 =	simm.s32 $0x16800  }
0x4: {  	s14 =	simm.s32 $0x80;
	s15 =	simm.s32 $0x19000;
	s16 =	simm.s32 $0x1  }
0x5: {  	s6 =	sand.u32 $0x1, s1;
	s1 =	rddreg [dreg:$0x3];
	s10 =	smul.u32 $0x50000, s0  }
0x6: {  	s29 =	sshll.u32 s0, $0x1;
	[smem:$0x7FF] =	sst s3;
	s17 =	smul.u32 $0x2800, s0  }
0x7: {  	s31 =	sshll.u32 s0, $0x6;
	s4 =	sor.u32 s6, s29;
	s9 =	smul.u32 $0x28000, s6  }
0x8: {  	_ =	strace $0x8000004D;
	s30 =	ssub.s32 $0x2, s6;
	s8 =	smul.u32 $0x500, s4  }
0x9: {  	s4 =	sadd.s32 $0x1FC00, s5;
	s6 =	sshrl.u32 s30, $0x1;
	s10 =	sshrl.u32 s10, $0x2  }
0xa: {  	s9 =	sadd.s32 s9, s5;
	s12 =	ssub.s32 s30, s6;
	s10 =	sadd.s32 s10, s2  }
0xb: {  	s6 =	sor.u32 $0x1C02, s31;
	s11 =	sadd.s32 s8, s5;
	s5 =	sadd.s32 s4, s17  }
0xc: {  	s7 =	sadd.s32 s7, s8;
	s18 =	sadd.s32 $0x47C00, s9;
	s9 =	smax.u32 s12, $0x1  }
0xd: {  	s10 =	sshrl.u32 s10, $0x3;
	s12 =	simm.s32 $0x14000;
	s8 =	sadd.s32 $0x15C00, s11  }
0xe: {  	s11 =	simm.s32 $0x2;
	s17 =	sadd.s32 s17, s18;
	s18 =	simm.s32 $0x0  }
.LBB2_1:
0xf: {  	[spmem:s10], [sflag:s6] =	dma.local [hbm:s5], $0x2800  }
0x10: {  	_ =	swait.ge [sflag:s11], $0x2800  }
0x11: {  	[sflag:s11] =	ssyncset.done $0x0  }
0x12: {  	[sflag:s11] =	ssyncadd.s32 $0xFFFFD800  }
0x13: {  	[tilespmem:s12], [sflag:$0x2] =	stream.linear.gather [hbm4b:s7+s3], $0x2780, $0x38;
	[tilespmem:$0x1D000] =	vst v63  }
0x14: {  	_ =	swait.ge [sflag:s11], $0x2780  }
0x15: {  	[sflag:s11] =	ssyncset.done $0x0  }
0x16: {  	[sflag:s11] =	ssyncadd.s32 $0xFFFFD880  }
0x17: {  	[tilespmem:s13], [sflag:$0x2] =	stream.linear.gather [hbm4b:s8+s3], $0x2780, $0x38;
	[tilespmem:$0x1D000] =	vst v63  }
0x18: {  	_ =	swait.ge [sflag:s11], $0x2780  }
0x19: {  	[sflag:s11] =	ssyncset.done $0x0  }
0x1a: {  	[sflag:s11] =	ssyncadd.s32 $0xFFFFD880  }
0x1b: {  	s19 =	simm.s32 $0x16800;
	[bflag:$0x0] =	sbarrier.arrive $0xFFFF  }
0x1c: {  	[tilespmem:s15], [sflag:$0x1] =	stream.indirect.gather [hbm4b:s4+s14], $0x80, s19, s14, $0xb8;
	[tilespmem:$0x1D000] =	vst v63  }
0x1d: {  	_ =	swait.ge [sflag:s16], $0x4000  }
0x1e: {  	[sflag:s16] =	ssyncset.done $0x0  }
0x1f: {  	s31 =	simm.s32 $0x14000;
	[sflag:s16] =	ssyncadd.s32 $0xFFFFC000  }
0x20: {  	[spmem:s2] =	stream.indirect.scatter.add.f32 [tilespmem:s15], [sflag:$0x2], $0x80, s31, s14, $0xb8;
	[tilespmem:$0x1D000] =	vst v63  }
0x21: {  	_ =	swait.ge [sflag:s11], $0x4000  }
0x22: {  	s20 =	simm.s32 $0x400;
	s19 =	simm.s32 $0x80;
	[sflag:s11] =	ssyncset.done $0x0  }
.LBB2_2:
0x23: {  	s21 =	sadd.s32 $0x16800, s19  }
0x24: {  	[sflag:s11] =	ssyncadd.s32 $0xFFFFC000;
	s22 =	smov.u32 s20;
	s23 =	sadd.s32 $0x200, s20  }
0x25: {  	[tilespmem:s15], [sflag:$0x1] =	stream.indirect.gather [hbm4b:s4+s14], $0x80, s21, s14, $0xb8;
	[tilespmem:$0x1D000] =	vst v63  }
0x26: {  	p0 =	sne.s32 s20, $0x9C00;
	_ =	swait.ge [sflag:s16], $0x4000  }
.Ltmp0:
0x27: {  	[sflag:s16] =	ssyncset.done $0x0;
	(pc) =	sbr.rel @p0 .LBB2_2-.Ltmp0, $4  }
0x28: {  	s19 =	sadd.s32 $0x14000, s19;
	[sflag:s16] =	ssyncadd.s32 $0xFFFFC000  }
0x29: {  	[spmem:s2] =	stream.indirect.scatter.add.f32 [tilespmem:s15], [sflag:$0x2], $0x80, s19, s14, $0xb8;
	[tilespmem:$0x1D000] =	vst v63  }
0x2a: {  	_ =	swait.ge [sflag:s11], $0x4000  }
0x2b: {  	s20 =	smov.u32 s23;
	s19 =	sshra.s32 s22, $0x2;
	[sflag:s11] =	ssyncset.done $0x0  }
0x2c: {  	s20 =	sadd.s32 $0x16800, s19;
	[sflag:s11] =	ssyncadd.s32 $0xFFFFC000  }
0x2d: {  	[tilespmem:s15], [sflag:$0x1] =	stream.indirect.gather [hbm4b:s4+s14], $0x80, s20, s14, $0xb8;
	[tilespmem:$0x1D000] =	vst v63  }
0x2e: {  	_ =	swait.ge [sflag:s16], $0x4000  }
0x2f: {  	[sflag:s16] =	ssyncset.done $0x0  }
0x30: {  	s31 =	sadd.s32 $0x14000, s19;
	[sflag:s16] =	ssyncadd.s32 $0xFFFFC000  }
0x31: {  	[spmem:s2] =	stream.indirect.scatter.add.f32 [tilespmem:s15], [sflag:$0x2], $0x80, s31, s14, $0xb8;
	[tilespmem:$0x1D000] =	vst v63  }
0x32: {  	_ =	swait.ge [sflag:s11], $0x4000  }
0x33: {  	s18 =	sadd.s32 $0x1, s18;
	[sflag:s11] =	ssyncset.done $0x0  }
0x34: {  	p0 =	sne.s32 s18, s9;
	[sflag:s11] =	ssyncadd.s32 $0xFFFFC000  }
.Ltmp1:
0x35: {  	[bflag:$0x0] =	sbarrier.arrive $0xFFFF;
	(pc) =	sbr.rel @p0 .LBB2_1-.Ltmp1, $4  }
0x36: {  	[hbm:s17], [sflag:s6] =	dma.local [spmem:s10], $0x2800  }
0x37: {  	_ =	swait.ge [sflag:s11], $0x2800  }
0x38: {  	[sflag:s11] =	ssyncset.done $0x0  }
0x39: {  	[sflag:s11] =	ssyncadd.s32 $0xFFFFD800  }
0x3a: {  	_ =	sfence.sel $0x180000  }
0x3b: {  	[bflag:$0x0] =	sbarrier.arrive $0xFFFF  }
0x3c: {  	p0 =	sne.s32 s0, $0x0;
	_ =	strace $0x9000004D  }
0x3d: {  	s0 =	sadd.s32 @!p0 $0x100000, s1;
	[bflag:$0x2] =	sbarrier.arrive $0xFFFF  }
0x3e: {  	[sflag:s0] =	ssyncadd.tile.s32 @!p0 $0x1;
	_ =	shalt  }
.Lfunc_end2:
_tile_overlayer_lowered:
.L_overlay_start_2:
0x3f: {  	(tag) =	ssettag $0x2  }
0x40: {  	s0 =	rddreg [dreg:$0x0];
	s2 =	stileid.u32  }
0x41: {  	s1 =	rddreg [dreg:$0x1];
	p0 =	sne.s32 s2, $0x0  }
0x42: {  	s3 =	rddreg [dreg:$0x2];
	[bflag:$0x3] =	sbarrier.arrive $0xFFFF;
	s2 =	simm.s32 @!p0 $0x1C02  }
0x43: {  	[timem:s3], [sflag:s2] =	dma.local @!p0 [hbm:s0], s1  }
0x44: {  	s0 =	simm.s32 @!p0 $0x2  }
0x45: {  	_ =	swait.ge @!p0 [sflag:s0], s1  }
0x46: {  	s1 =	ssub.s32 @!p0 $0x0, s1;
	[sflag:s0] =	ssyncset.done @!p0 $0x0  }
0x47: {  	[sflag:s0] =	ssyncadd.s32 @!p0 s1  }
0x48: {  	[bflag:$0x3] =	sbarrier.arrive $0xFFFF  }
0x49: {  	_ =	shalt  }

// kernel: kernel.8.cloned.1.call-start
scs
__scs_entry_jumppad:
0x0: {  	(pc) =	sbr.rel $0x88, $3  }
0x1: {  	(tag) =	ssettag $0x0;
	lr =	simm.s32 $0x1  }
0x2: {  	[smem:$0x3F9D] =	sst lr;
	_ =	strace $0xD0000000  }
0x3: {  	_ = 	snop  }
0x4: {  	_ = 	snop  }
0x5: {  	_ = 	snop  }
0x6: {  	_ = 	snop  }
0x7: {  	_ = 	snop  }
__scs_overlays_trampoline_lowered:
0x8: {  	[smem:$0x3FAC] =	sst s0  }
0x9: {  	[smem:$0x3FAD] =	sst s1  }
0xa: {  	[smem:$0x3FAE] =	sst s2  }
0xb: {  	[smem:$0x3FAF] =	sst s3  }
0xc: {  	[smem:$0x3FB0] =	sst s4  }
0xd: {  	[smem:$0x3FB1] =	sst s5  }
0xe: {  	[smem:$0x3FB2] =	sst s6  }
0xf: {  	[smem:$0x3FB3] =	sst s7  }
0x10: {  	[smem:$0x3FB4] =	sst s8  }
0x11: {  	[smem:$0x3FB5] =	sst s9;
	s0 =	simm.s32 @!p0 $0x0  }
0x12: {  	s1 =	sld [smem:$0x3F9B];
	s0 =	simm.s32 @p0 $0x1  }
0x13: {  	[smem:$0x3FB6] =	sst s0;
	s0 =	simm.s32 @!p1 $0x0  }
0x14: {  	s2 =	sld [smem:$0x3F9A];
	s0 =	simm.s32 @p1 $0x1  }
0x15: {  	[smem:$0x3FB7] =	sst s0;
	s0 =	simm.s32 @!p2 $0x0  }
0x16: {  	s3 =	sld [smem:$0x3FDB];
	s0 =	simm.s32 @p2 $0x1  }
0x17: {  	s4 =	simm.s32 $0x1BF5;
	[smem:$0x3FB9] =	sst s0  }
0x18: {  	s0 =	sld [smem:$0x3F9C];
	_ =	swait.ge [sflag:s4], $0x0  }
0x19: {  	s7 =	sld [smem:$0x3F9D]  }
0x1a: {  	s8 =	sadd.s32 $0xFFFFE003, lr  }
0x1b: {  	s9 =	sadd.s32 $0xFFFFFEF7, lr;
	s5 =	simm.s32 $0xFFFFFFFF;
	p2 =	slt.u32 s8, $0xFFFFF086  }
0x1c: {  	p1 =	slt.u32 s9, $0xF7A;
	s5 =	simm.s32 @!p2 $0x0  }
0x1d: {  	s5 =	simm.s32 @p1 $0x1;
	p0 =	seq.s32 s7, s2  }
0x1e: {  	s7 =	smul.u32 @!p0 $0xF7A, s2;
	p2 =	seq.s32 @!p0 s5, $0x0  }
0x1f: {  	s9 =	smul.u32 $0xF7A, s1;
	s8 =	simm.s32 @!p0 $0x1BF5;
	p2 =	por !p2, p0  }
0x20: {  	[sflag:s8] =	ssyncset.s32 @!p0 $0xFFFFF086;
	s6 =	sadd.s32 @!p0 s3, s7;
	s7 =	simm.s32 @!p0 $0x108  }
0x21: {  	s3 =	sadd.s32 s3, s9;
	s6 =	sadd.s32 @!p0 $0x88, s6;
	s7 =	simm.s32 @p2 $0x1082  }
0x22: {  	[simem:s7], [sflag:s8] =	dma.local @!p0 [hbm:s6], $0xF7A  }
0x23: {  	s9 =	sor.u32 $0xD0000000, s2;
	s6 =	simm.s32 $0x108;
	_ =	swait.ge @!p0 [sflag:s8], $0x0  }
0x24: {  	s3 =	sadd.s32 $0x88, s3;
	s6 =	simm.s32 @!p1 $0x1082;
	[sflag:s4] =	ssyncset.s32 $0xFFFFF086  }
0x25: {  	[simem:s6], [sflag:s4] =	dma.local [hbm:s3], $0xF7A  }
0x26: {  	[smem:$0x3F9D] =	sst s1;
	(tag) =	ssettag s2;
	_ =	strace s9  }
0x27: {  	s1 =	sld [smem:$0x3FAD]  }
0x28: {  	s2 =	sld [smem:$0x3FAE]  }
0x29: {  	s4 =	sld [smem:$0x3FB0]  }
0x2a: {  	p0 =	seq.s32 s5, $0x0;
	s5 =	sld [smem:$0x3FB1]  }
0x2b: {  	s6 =	sld [smem:$0x3FB2]  }
0x2c: {  	s7 =	sld [smem:$0x3FB3]  }
0x2d: {  	s3 =	simm.s32 $0x108;
	s8 =	sld [smem:$0x3FB4]  }
0x2e: {  	s3 =	simm.s32 @!p0 $0x1082;
	s9 =	sld [smem:$0x3FB5]  }
0x2f: {  	lr =	sadd.s32 s0, s3;
	s0 =	sld [smem:$0x3FAC]  }
0x30: {  	s3 =	sld [smem:$0x3FAF]  }
0x31: {  	[smem:$0x3FB8] =	sst s10  }
0x32: {  	s10 =	sld [smem:$0x3FB6];
	_ =	sdelay $0x3  }
0x33: {  	p0 =	seq.s32 s10, $0x1;
	s10 =	sld [smem:$0x3FB8];
	_ =	sdelay $0x3  }
0x34: {  	[smem:$0x3FB8] =	sst s10  }
0x35: {  	s10 =	sld [smem:$0x3FB7];
	_ =	sdelay $0x3  }
0x36: {  	p1 =	seq.s32 s10, $0x1;
	s10 =	sld [smem:$0x3FB8];
	_ =	sdelay $0x3  }
0x37: {  	[smem:$0x3FB8] =	sst s10  }
0x38: {  	s10 =	sld [smem:$0x3FB9]  }
0x39: {  	_ = 	snop;
	(pc) =	sbr.ind lr, $3  }
0x3a: {  	_ = 	snop  }
0x3b: {  	_ = 	snop  }
0x3c: {  	p2 =	seq.s32 s10, $0x1;
	s10 =	sld [smem:$0x3FB8]  }
0x3d: {  	_ =	shalt  }
0x3e: {  	_ =	shalt  }
0x3f: {  	_ =	shalt  }
0x40: {  	_ =	shalt  }
0x41: {  	_ =	shalt  }
0x42: {  	_ =	shalt  }
0x43: {  	_ =	shalt  }
0x44: {  	_ =	shalt  }
0x45: {  	_ =	shalt  }
0x46: {  	_ =	shalt  }
0x47: {  	_ =	shalt  }
0x48: {  	_ =	shalt  }
0x49: {  	_ =	shalt  }
0x4a: {  	_ =	shalt  }
0x4b: {  	_ =	shalt  }
0x4c: {  	_ =	shalt  }
0x4d: {  	_ =	shalt  }
0x4e: {  	_ =	shalt  }
0x4f: {  	_ =	shalt  }
0x50: {  	_ =	shalt  }
0x51: {  	_ =	shalt  }
0x52: {  	_ =	shalt  }
0x53: {  	_ =	shalt  }
0x54: {  	_ =	shalt  }
0x55: {  	_ =	shalt  }
0x56: {  	_ =	shalt  }
0x57: {  	_ =	shalt  }
0x58: {  	_ =	shalt  }
0x59: {  	_ =	shalt  }
0x5a: {  	_ =	shalt  }
0x5b: {  	_ =	shalt  }
0x5c: {  	_ =	shalt  }
0x5d: {  	_ =	shalt  }
0x5e: {  	_ =	shalt  }
0x5f: {  	_ =	shalt  }
0x60: {  	_ =	shalt  }
0x61: {  	_ =	shalt  }
0x62: {  	_ =	shalt  }
0x63: {  	_ =	shalt  }
0x64: {  	_ =	shalt  }
0x65: {  	_ =	shalt  }
0x66: {  	_ =	shalt  }
0x67: {  	_ =	shalt  }
0x68: {  	_ =	shalt  }
0x69: {  	_ =	shalt  }
0x6a: {  	_ =	shalt  }
0x6b: {  	_ =	shalt  }
0x6c: {  	_ =	shalt  }
0x6d: {  	_ =	shalt  }
0x6e: {  	_ =	shalt  }
0x6f: {  	_ =	shalt  }
0x70: {  	_ =	shalt  }
0x71: {  	_ =	shalt  }
0x72: {  	_ =	shalt  }
0x73: {  	_ =	shalt  }
0x74: {  	_ =	shalt  }
0x75: {  	_ =	shalt  }
0x76: {  	_ =	shalt  }
0x77: {  	_ =	shalt  }
0x78: {  	_ =	shalt  }
0x79: {  	_ =	shalt  }
0x7a: {  	_ =	shalt  }
0x7b: {  	_ =	shalt  }
0x7c: {  	_ =	shalt  }
0x7d: {  	_ =	shalt  }
0x7e: {  	_ =	shalt  }
0x7f: {  	_ =	shalt  }
0x80: {  	_ =	shalt  }
0x81: {  	_ =	shalt  }
0x82: {  	_ =	shalt  }
0x83: {  	_ =	shalt  }
0x84: {  	_ =	shalt  }
0x85: {  	_ =	shalt  }
0x86: {  	_ =	shalt  }
0x87: {  	_ =	shalt  }
.Lfunc_end0:
.L_simem_size_0:
called_computation_lowered:
.L_overlay_start_0:
0x88: {  	s2 =	sld [smem:$0x3FD9]  }
0x89: {  	s3 =	sld [smem:$0x3FFE];
	_ =	sdelay $0x1  }
0x8a: {  	s1 =	srdreg.scid  }
0x8b: {  	s0 =	sand.u32 $0x1, s1  }
0x8c: {  	s16 =	sshll.u32 s0, $0xA;
	s2 =	sadd.s32 s3, s2  }
0x8d: {  	s2 =	sadd.s32 s2, s16  }
0x8e: {  	[smem:$0x3FC4] =	sst s2  }
0x8f: {  	_ = 	snop  }
0x90: {  	(tm) =	ssettm $0x1  }
0x91: {  	s17 =	sld [smem:$0x3FFB];
	_ =	sdelay $0x3  }
0x92: {  	_ =	strace s17  }
0x93: {  	s2 =	sld [smem:$0x3FFC];
	_ =	sdelay $0x3  }
0x94: {  	_ =	strace s2  }
0x95: {  	s2 =	sld [smem:$0x3FFD];
	_ =	sdelay $0x3  }
0x96: {  	_ =	strace s2  }
0x97: {  	_ =	strace $0x8FFFFFFF  }
0x98: {  	s18 =	sld [smem:$0x3FDB];
	_ =	sdelay $0x1  }
0x99: {  	s19 =	simm.s32 $_scs_section_size  }
0x9a: {  	s4 =	simm.s32 $_size__tile_overlayer_lowered;
	s5 =	simm.s32 $_tile_overlayer_lowered  }
0x9b: {  	s22 =	simm.s32 $0x1BFF;
	s21 =	sshll.u32 s5, $0x1;
	s2 =	sadd.s32 s19, s18  }
0x9c: {  	s6 =	simm.s32 $0x0;
	s20 =	sshll.u32 s4, $0x1;
	s4 =	sadd.s32 s21, s2  }
0x9d: {  	[timem:s6], [sflag:s22] =	dma.local [hbm:s4], s20  }
0x9e: {  	_ =	swait.ge [sflag:s22], s20  }
0x9f: {  	s3 =	ssub.s32 $0x0, s20;
	[sflag:s22] =	ssyncset.done $0x0  }
0xa0: {  	[sflag:s22] =	ssyncadd.s32 s3;
	_ =	sdelay $0x1  }
0xa1: {  	s23 =	simm.s32 $0x1B8B  }
0xa2: {  	_ =	swait.ge [sflag:s23], $0x1  }
0xa3: {  	[sflag:s23] =	ssyncset.done $0x0  }
0xa4: {  	s25 =	simm.s32 $0x1B8E;
	s24 =	sld [smem:$0x3FFE];
	[sflag:s23] =	ssyncadd.s32 $0xFFFFFFFF  }
0xa5: {  	s26 =	simm.s32 $execute0_lowered;
	[smem:$0x3FD2] =	sst s25  }
0xa6: {  	s4 =	sshll.u32 s26, $0x1;
	_ =	strace $0x80000046;
	[dreg:$0x1] =	wrdreg $0xFFFFFFFF  }
0xa7: {  	s28 =	simm.s32 $_size_execute0_lowered;
	s2 =	sadd.s32 s2, s4;
	[dreg:$0x0] =	wrdreg $0x0  }
0xa8: {  	s4 =	sshll.u32 s28, $0x1;
	[dreg:$0x2] =	wrdreg s2  }
0xa9: {  	[dreg:$0x3] =	wrdreg s4  }
0xaa: {  	[dreg:$0x4] =	wrdreg $0xC0  }
0xab: {  	_ =	task [dreg:s6], $0x5FFFF  }
0xac: {  	[dreg:$0x1] =	wrdreg $0xFFFFFFFF  }
0xad: {  	[dreg:$0x0] =	wrdreg $0x60  }
0xae: {  	[dreg:$0x2] =	wrdreg s24  }
0xaf: {  	[dreg:$0x3] =	wrdreg $0x9  }
0xb0: {  	_ =	task.clear_ibuf [dreg:s6], $0x4FFFF;
	_ =	strace $0x90000046  }
0xb1: {  	s29 =	simm.s32 $0x9;
	_ =	strace $0x80000048  }
0xb2: {  	_ =	swait.ge [sflag:s29], $0x1  }
0xb3: {  	[sflag:s29] =	ssyncadd.s32 $0xFFFFFFFF  }
0xb4: {  	_ =	strace $0x90000048  }
0xb5: {  	_ =	sfence  }
0xb6: {  	s30 =	sld [smem:$0x0];
	_ =	sdelay $0x2  }
0xb7: {  	s31 =	sshll.u32 s1, $0xD;
	s1 =	sshrl.u32 s1, $0x2  }
0xb8: {  	s3 =	sand.u32 $0x4000, s31;
	s1 =	sadd.s32 s1, s30  }
0xb9: {  	s0 =	sor.u32 s3, s0;
	s1 =	sshll.u32 s1, $0x11  }
0xba: {  	s0 =	sor.u32 s1, s0  }
0xbb: {  	s0 =	sadd.s32 $0x8F2B, s0  }
0xbc: {  	[sflag:s0] =	ssyncadd.remote.s32 $0x1  }
0xbd: {  	_ =	sfence.sel $0xFFFF  }
0xbe: {  	[dreg:$0x0] =	wrdreg $0xFFFFFFFF;
	(pc) =	sbr.abs _section_cstart, $3  }
0xbf: {  	[dreg:$0x1] =	wrdreg $0xFFFFFFFF  }
0xc0: {  	_ =	task.clear_ibuf [dreg:s6], $0x2FFFF;
	_ =	strace $0x9FFFFFFF  }
0xc1: {  	(tm) =	ssettm $0x7FFFFFFF  }
tec
execute0_lowered:
.L_overlay_start_1:
0x0: {  	(tag) =	ssettag $0x1  }
0x1: {  	s3 =	rddreg [dreg:$0x0]  }
0x2: {  	s0 =	rddreg [dreg:$0x1]  }
0x3: {  	s1 =	stileid.u32;
	s2 =	simm.s32 $0x0;
	s4 =	srdreg.scid  }
0x4: {  	s9 =	simm.s32 $0x1;
	s10 =	simm.s32 $0x0;
	s5 =	sshrl.u32 s1, $0x2  }
0x5: {  	s4 =	sand.u32 $0x1, s4;
	s6 =	sshll.u32 s1, $0x8;
	[smem:$0x7FF] =	sst s2  }
0x6: {  	s7 =	smul.u32 $0x13C00, s5;
	s8 =	sshll.u32 s4, $0x7;
	s6 =	sand.u32 $0x300, s6  }
0x7: {  	s5 =	smul.u32 $0x14000, s5;
	s4 =	ssub.s32 $0x2, s4;
	s6 =	sor.u32 s8, s6  }
0x8: {  	_ =	strace $0x80000047;
	s30 =	sshrl.u32 s4, $0x1;
	s7 =	sor.u32 s7, s6  }
0x9: {  	s8 =	simm.s32 $0x2800;
	s5 =	sor.u32 s5, s6;
	s29 =	sshrl.u32 s7, $0x3  }
0xa: {  	s31 =	ssub.s32 s4, s30;
	s5 =	sshrl.u32 s5, $0x3;
	s6 =	sadd.s32 s29, s3  }
0xb: {  	s7 =	simm.s32 $0x400;
	s5 =	sadd.s32 s5, s3;
	s3 =	sadd.s32 $0x1E00, s6  }
0xc: {  	v0 =	vimm.f32 $0.0e+00;
	v1 =	vimm.f32 $1.000000000e+00;
	s4 =	sadd.s32 $0xBC00, s5;
	s5 =	smax.u32 s31, $0x1;
	s6 =	simm.s32 $0x80  }
.LBB2_1:
0xd: {  	s11 =	simm.s32 $0x40;
	s12 =	simm.s32 $0x0  }
.LBB2_2:
0xe: {  	p0 =	sne.s32 s11, $0x9FC0;
	[tilespmem:s12+$0x0] =	vst v0;
	s12 =	smov.u32 s11;
	s11 =	sadd.s32 $0x40, s11  }
.Ltmp0:
0xf: {  	(pc) =	sbr.rel @p0 .LBB2_2-.Ltmp0, $2  }
0x10: {  	_ =	sdelay $0x2  }
0x11: {  	s12 =	sshra.s32 s12, $0x2  }
0x12: {  	[tilespmem:s12+$0x0] =	vst v0  }
0x13: {  	[tilespmem:s8], [sflag:$0x1] =	stream.strided.gather [hbm4b:s3+s6], $0x2780, s7, s6, $0x38;
	[tilespmem:$0x4F80] =	vst v63  }
0x14: {  	_ =	swait.ge [sflag:s9], $0x2780  }
0x15: {  	[sflag:s9] =	ssyncset.done $0x0  }
0x16: {  	s12 =	simm.s32 $0x0;
	s11 =	simm.s32 $0x40;
	[sflag:s9] =	ssyncadd.s32 $0xFFFFD880  }
.LBB2_4:
0x17: {  	p0 =	sne.s32 s11, $0x9DC0;
	v2 =	vld [tilespmem:s12+$0x2800];
	_ =	sdelay $0x3  }
.Ltmp1:
0x18: {  	(pc) =	sbr.rel @p0 .LBB2_4-.Ltmp1, $2  }
0x19: {  	_ =	sdelay $0x2  }
0x1a: {  	s12 =	sshra.s32 s11, $0x2;
	s11 =	sadd.s32 $0x40, s11;
	[tilespmem:v2+s2+$0x0] =	vst.idx.add.f32.msk $0xffff, v1  }
0x1b: {  	v2 =	vld [tilespmem:s12+$0x2800];
	_ =	sdelay $0x5  }
0x1c: {  	s10 =	sadd.s32 $0x1, s10  }
0x1d: {  	p0 =	sne.s32 s10, s5  }
.Ltmp2:
0x1e: {  	[tilespmem:v2+s2+$0x0] =	vst.idx.add.f32.msk $0xffff, v1;
	(pc) =	sbr.rel @p0 .LBB2_1-.Ltmp2, $4  }
0x1f: {  	[hbm4b:s4+s6] =	stream.strided.scatter [tilespmem:s2], [sflag:$0x1], $0x2800, s7, s6, $0x38;
	[tilespmem:$0x4F80] =	vst v63  }
0x20: {  	_ =	swait.ge [sflag:s9], $0x2800  }
0x21: {  	[sflag:s9] =	ssyncset.done $0x0  }
0x22: {  	[sflag:s9] =	ssyncadd.s32 $0xFFFFD800  }
0x23: {  	_ =	sfence.sel $0x180000  }
0x24: {  	[bflag:$0x0] =	sbarrier.arrive $0xFFFF  }
0x25: {  	p0 =	sne.s32 s1, $0x0;
	_ =	strace $0x90000047  }
0x26: {  	s0 =	sadd.s32 @!p0 $0x100000, s0;
	[bflag:$0x2] =	sbarrier.arrive $0xFFFF  }
0x27: {  	[sflag:s0] =	ssyncadd.tile.s32 @!p0 $0x1;
	_ =	shalt  }
.Lfunc_end2:
_tile_overlayer_lowered:
.L_overlay_start_2:
0x28: {  	(tag) =	ssettag $0x2  }
0x29: {  	s0 =	rddreg [dreg:$0x0];
	s2 =	stileid.u32  }
0x2a: {  	s1 =	rddreg [dreg:$0x1];
	p0 =	sne.s32 s2, $0x0  }
0x2b: {  	s3 =	rddreg [dreg:$0x2];
	[bflag:$0x3] =	sbarrier.arrive $0xFFFF;
	s2 =	simm.s32 @!p0 $0x1C01  }
0x2c: {  	[timem:s3], [sflag:s2] =	dma.local @!p0 [hbm:s0], s1  }
0x2d: {  	s0 =	simm.s32 @!p0 $0x1  }
0x2e: {  	_ =	swait.ge @!p0 [sflag:s0], s1  }
0x2f: {  	s1 =	ssub.s32 @!p0 $0x0, s1;
	[sflag:s0] =	ssyncset.done @!p0 $0x0  }
0x30: {  	[sflag:s0] =	ssyncadd.s32 @!p0 s1  }
0x31: {  	[bflag:$0x3] =	sbarrier.arrive $0xFFFF  }
0x32: {  	_ =	shalt  }

</sc_bundles>
